<compile_context>
chip_gen: v7x
topology: tpu7x:2x2x1
jax: 0.10.2.dev20260603
libtpu: 0.0.44.dev20260713+nightly
codegen_flags: <defaults>
</compile_context>

<pallas_src>
import functools

import jax
import jax.numpy as jnp
from jax import lax
from jax.experimental import pallas as pl
from jax.experimental.pallas import tpu as pltpu
from jax.experimental.pallas import tpu_sc as plsc

L = 16
NC = 2
NS = 16
NW = NC * NS


@functools.lru_cache(maxsize=None)
def _make_sc_kernel(N: int, D: int, CH: int, NBUF: int):
    rows_per_w = N // NW
    n_chunks = rows_per_w // CH
    mesh = plsc.VectorSubcoreMesh(core_axis_name="c", subcore_axis_name="s")

    scratch = [pltpu.VMEM((D,), jnp.int32)]
    scratch += [pltpu.VMEM((CH, D), jnp.float32) for _ in range(2 * NBUF)]
    scratch += [pltpu.SemaphoreType.DMA for _ in range(2 * NBUF)]

    @functools.partial(
        pl.kernel,
        mesh=mesh,
        compiler_params=pltpu.CompilerParams(needs_layout_passes=False),
        out_type=jax.ShapeDtypeStruct((N, D), jnp.float32),
        scratch_types=scratch,
    )
    def k(x_hbm, idx_hbm, out_hbm, idx_v, *bufs_and_sems):
        ins = bufs_and_sems[:NBUF]
        outs = bufs_and_sems[NBUF:2 * NBUF]
        isems = bufs_and_sems[2 * NBUF:3 * NBUF]
        osems = bufs_and_sems[3 * NBUF:4 * NBUF]

        wid = lax.axis_index("s") * NC + lax.axis_index("c")
        base = wid * rows_per_w
        pltpu.sync_copy(idx_hbm, idx_v)

        def in_start(c, b):
            pltpu.async_copy(x_hbm.at[pl.ds(base + c * CH, CH)],
                             ins[b], isems[b])

        def in_wait(b):
            pltpu.make_async_copy(x_hbm.at[pl.ds(base, CH)],
                                  ins[b], isems[b]).wait()

        def out_start(c, b):
            pltpu.async_copy(outs[b],
                             out_hbm.at[pl.ds(base + c * CH, CH)], osems[b])

        def out_wait(b):
            pltpu.make_async_copy(outs[b],
                                  out_hbm.at[pl.ds(base, CH)], osems[b]).wait()

        for b in range(NBUF):
            in_start(b, b)
        n_rounds = (n_chunks + NBUF - 1) // NBUF

        def round_body(g, carry):
            for b in range(NBUF):
                c = g * NBUF + b

                @pl.when(c < n_chunks)
                def _():
                    in_wait(b)

                    @pl.when(g > 0)
                    def _():
                        out_wait(b)

                    @plsc.parallel_loop(0, D // L, 1, unroll=8)
                    def _(j):
                        idxv = idx_v[pl.ds(j * L, L)]
                        for r in range(CH):
                            rvec = jnp.full((L,), r, jnp.int32)
                            vals = plsc.load_gather(ins[b], [rvec, idxv])
                            outs[b][r, pl.ds(j * L, L)] = vals

                    out_start(c, b)

                    @pl.when(c + NBUF < n_chunks)
                    def _():
                        in_start(c + NBUF, b)
            return carry

        lax.fori_loop(0, n_rounds, round_body, 0)
        for b in range(NBUF):
            out_wait(b)

    return k


def kernel(x, indices):
    B, S, D = x.shape
    N = B * S
    k = _make_sc_kernel(N, D, 4, 4)
    out = k(x.reshape(N, D), indices)
    return out.reshape(B, S, D)

# --- scband reference (transcript-rebuilt; emitter-appended) ---
"""Pipeline reference for scband-fixed-permutation-57174604644549 (READ-ONLY COPY).

The authoritative reference and input builder live on the scoring server;
editing this copy changes nothing except your own understanding.
"""

import jax, jax.numpy as jnp
import numpy as np

D = 2048
B = 4
S = 4096

def setup_inputs(seed: int = 0) -> dict:
    key = jax.random.key(seed)
    kx, kp = jax.random.split(key)
    x = jax.random.normal(kx, (B, S, D), dtype=jnp.float32)
    # indices is a learned-at-construction fixed permutation of the feature axis
    indices = jax.random.permutation(kp, jnp.arange(D, dtype=jnp.int32))
    return {"x": x, "indices": indices}

def reference(x, indices):
    # FixedPermutation.forward: gather along the last axis
    return jnp.take(x, indices, axis=-1)

if __name__ == "__main__":
    import jax
    _d = setup_inputs()
    print(jax.jit(kernel)(*tuple(_d.values())))

</pallas_src>

<mosaic_0001>
#map = affine_map<(d0, d1) -> (0, 0)>
#map1 = affine_map<(d0, d1) -> (0)>
module attributes {stable_mosaic.version = 14 : i64} {
  func.func @k(%arg0: i32, %arg1: i32, %arg2: memref<16384x2048xf32, #tpu.memory_space<hbm>>, %arg3: memref<2048xi32, #tpu.memory_space<hbm>>, %arg4: memref<16384x2048xf32, #tpu.memory_space<hbm>>, %arg5: memref<2048xi32, #tpu.memory_space<vmem>>, %arg6: memref<4x2048xf32, #tpu.memory_space<vmem>>, %arg7: memref<4x2048xf32, #tpu.memory_space<vmem>>, %arg8: memref<4x2048xf32, #tpu.memory_space<vmem>>, %arg9: memref<4x2048xf32, #tpu.memory_space<vmem>>, %arg10: memref<4x2048xf32, #tpu.memory_space<vmem>>, %arg11: memref<4x2048xf32, #tpu.memory_space<vmem>>, %arg12: memref<4x2048xf32, #tpu.memory_space<vmem>>, %arg13: memref<4x2048xf32, #tpu.memory_space<vmem>>, %arg14: memref<!tpu.dma_semaphore, #tpu.memory_space<semaphore_mem>>, %arg15: memref<!tpu.dma_semaphore, #tpu.memory_space<semaphore_mem>>, %arg16: memref<!tpu.dma_semaphore, #tpu.memory_space<semaphore_mem>>, %arg17: memref<!tpu.dma_semaphore, #tpu.memory_space<semaphore_mem>>, %arg18: memref<!tpu.dma_semaphore, #tpu.memory_space<semaphore_mem>>, %arg19: memref<!tpu.dma_semaphore, #tpu.memory_space<semaphore_mem>>, %arg20: memref<!tpu.dma_semaphore, #tpu.memory_space<semaphore_mem>>, %arg21: memref<!tpu.dma_semaphore, #tpu.memory_space<semaphore_mem>>) attributes {dimension_semantics = [#tpu.dimension_semantics<core_parallel>, #tpu.dimension_semantics<subcore_parallel>], iteration_bounds = array<i64: 2, 16>, scalar_prefetch = 0 : i64, scratch_operands = 17 : i64, tpu.core_type = #tpu.core_type<sc_vector_subcore>, window_params = [{transform_indices = #map}, {transform_indices = #map1}, {transform_indices = #map}]} {
    %mul3A = arith.constant 2 : i32
    %mul3A_0 = arith.muli %arg1, %mul3A : i32
    %add3A = arith.addi %mul3A_0, %arg0 : i32
    %mul3A_1 = arith.constant 512 : i32
    %mul3A_2 = arith.muli %add3A, %mul3A_1 : i32
    "tpu.region"() ({
      %run_scoped3A = tpu.sem_alloc : memref<!tpu.dma_semaphore, #tpu.memory_space<semaphore_mem>>
      tpu.enqueue_dma source(%arg3 : memref<2048xi32, #tpu.memory_space<hbm>>) target(%arg5 : memref<2048xi32, #tpu.memory_space<vmem>>) target_semaphore(%run_scoped3A : memref<!tpu.dma_semaphore, #tpu.memory_space<semaphore_mem>>)
      tpu.wait_dma2 semaphore(%run_scoped3A : memref<!tpu.dma_semaphore, #tpu.memory_space<semaphore_mem>>) src(%arg3 : memref<2048xi32, #tpu.memory_space<hbm>>) dst(%arg5 : memref<2048xi32, #tpu.memory_space<vmem>>)
      tpu.yield
    }) : () -> ()
    %add3A_3 = arith.constant 0 : i32
    %add3A_4 = arith.addi %mul3A_2, %add3A_3 : i32
    %dma_start3A = arith.constant 0 : i32
    %dma_start3A_5 = tpu.memref_slice %arg2[%add3A_4, %dma_start3A] : memref<16384x2048xf32, #tpu.memory_space<hbm>> -> memref<4x2048xf32, #tpu.memory_space<hbm>>
    %dma_start3A_6 = arith.constant 0 : i32
    %dma_start3A_7 = tpu.memref_slice %arg2[%add3A_4, %dma_start3A_6] : memref<16384x2048xf32, #tpu.memory_space<hbm>> -> memref<4x2048xf32, #tpu.memory_space<hbm>>
    tpu.enqueue_dma source(%dma_start3A_7 : memref<4x2048xf32, #tpu.memory_space<hbm>>) target(%arg6 : memref<4x2048xf32, #tpu.memory_space<vmem>>) target_semaphore(%arg14 : memref<!tpu.dma_semaphore, #tpu.memory_space<semaphore_mem>>)
    %add3A_8 = arith.constant 4 : i32
    %add3A_9 = arith.addi %mul3A_2, %add3A_8 : i32
    %dma_start3A_10 = arith.constant 0 : i32
    %dma_start3A_11 = tpu.memref_slice %arg2[%add3A_9, %dma_start3A_10] : memref<16384x2048xf32, #tpu.memory_space<hbm>> -> memref<4x2048xf32, #tpu.memory_space<hbm>>
    %dma_start3A_12 = arith.constant 0 : i32
    %dma_start3A_13 = tpu.memref_slice %arg2[%add3A_9, %dma_start3A_12] : memref<16384x2048xf32, #tpu.memory_space<hbm>> -> memref<4x2048xf32, #tpu.memory_space<hbm>>
    tpu.enqueue_dma source(%dma_start3A_13 : memref<4x2048xf32, #tpu.memory_space<hbm>>) target(%arg7 : memref<4x2048xf32, #tpu.memory_space<vmem>>) target_semaphore(%arg15 : memref<!tpu.dma_semaphore, #tpu.memory_space<semaphore_mem>>)
    %add3A_14 = arith.constant 8 : i32
    %add3A_15 = arith.addi %mul3A_2, %add3A_14 : i32
    %dma_start3A_16 = arith.constant 0 : i32
    %dma_start3A_17 = tpu.memref_slice %arg2[%add3A_15, %dma_start3A_16] : memref<16384x2048xf32, #tpu.memory_space<hbm>> -> memref<4x2048xf32, #tpu.memory_space<hbm>>
    %dma_start3A_18 = arith.constant 0 : i32
    %dma_start3A_19 = tpu.memref_slice %arg2[%add3A_15, %dma_start3A_18] : memref<16384x2048xf32, #tpu.memory_space<hbm>> -> memref<4x2048xf32, #tpu.memory_space<hbm>>
    tpu.enqueue_dma source(%dma_start3A_19 : memref<4x2048xf32, #tpu.memory_space<hbm>>) target(%arg8 : memref<4x2048xf32, #tpu.memory_space<vmem>>) target_semaphore(%arg16 : memref<!tpu.dma_semaphore, #tpu.memory_space<semaphore_mem>>)
    %add3A_20 = arith.constant 12 : i32
    %add3A_21 = arith.addi %mul3A_2, %add3A_20 : i32
    %dma_start3A_22 = arith.constant 0 : i32
    %dma_start3A_23 = tpu.memref_slice %arg2[%add3A_21, %dma_start3A_22] : memref<16384x2048xf32, #tpu.memory_space<hbm>> -> memref<4x2048xf32, #tpu.memory_space<hbm>>
    %dma_start3A_24 = arith.constant 0 : i32
    %dma_start3A_25 = tpu.memref_slice %arg2[%add3A_21, %dma_start3A_24] : memref<16384x2048xf32, #tpu.memory_space<hbm>> -> memref<4x2048xf32, #tpu.memory_space<hbm>>
    tpu.enqueue_dma source(%dma_start3A_25 : memref<4x2048xf32, #tpu.memory_space<hbm>>) target(%arg9 : memref<4x2048xf32, #tpu.memory_space<vmem>>) target_semaphore(%arg17 : memref<!tpu.dma_semaphore, #tpu.memory_space<semaphore_mem>>)
    %scan3A = arith.constant 0 : i32
    %scan3A_26 = arith.constant 0 : i32
    %scan3A_27 = arith.constant 32 : i32
    %scan3A_28 = arith.addi %scan3A_26, %scan3A_27 : i32
    %scan3A_29 = arith.constant 1 : i32
    scf.for %scan3A_46 = %scan3A_26 to %scan3A_28 step %scan3A_29  : i32 {
      %mul3A_47 = arith.constant 4 : i32
      %mul3A_48 = arith.muli %scan3A_46, %mul3A_47 : i32
      %add3A_49 = arith.constant 0 : i32
      %add3A_50 = arith.addi %mul3A_48, %add3A_49 : i32
      %lt3A = arith.constant 128 : i32
      %lt3A_51 = arith.cmpi slt, %add3A_50, %lt3A : i32
      %convert_element_type3A = arith.extui %lt3A_51 : i1 to i32
      %cond3A = arith.constant 0 : i32
      %cond3A_52 = arith.cmpi ne, %convert_element_type3A, %cond3A : i32
      scf.if %cond3A_52 {
        %dma_wait3A_80 = arith.constant 0 : i32
        %dma_wait3A_81 = tpu.memref_slice %arg2[%mul3A_2, %dma_wait3A_80] : memref<16384x2048xf32, #tpu.memory_space<hbm>> -> memref<4x2048xf32, #tpu.memory_space<hbm>>
        %dma_wait3A_82 = arith.constant 0 : i32
        %dma_wait3A_83 = tpu.memref_slice %arg2[%mul3A_2, %dma_wait3A_82] : memref<16384x2048xf32, #tpu.memory_space<hbm>> -> memref<4x2048xf32, #tpu.memory_space<hbm>>
        tpu.wait_dma2 semaphore(%arg14 : memref<!tpu.dma_semaphore, #tpu.memory_space<semaphore_mem>>) src(%dma_wait3A_83 : memref<4x2048xf32, #tpu.memory_space<hbm>>) dst(%arg6 : memref<4x2048xf32, #tpu.memory_space<vmem>>)
        %gt3A = arith.constant 0 : i32
        %gt3A_84 = arith.cmpi sgt, %scan3A_46, %gt3A : i32
        %convert_element_type3A_85 = arith.extui %gt3A_84 : i1 to i32
        %cond3A_86 = arith.constant 0 : i32
        %cond3A_87 = arith.cmpi ne, %convert_element_type3A_85, %cond3A_86 : i32
        scf.if %cond3A_87 {
          %dma_wait3A_104 = arith.constant 0 : i32
          %dma_wait3A_105 = tpu.memref_slice %arg4[%mul3A_2, %dma_wait3A_104] : memref<16384x2048xf32, #tpu.memory_space<hbm>> -> memref<4x2048xf32, #tpu.memory_space<hbm>>
          %dma_wait3A_106 = arith.constant 0 : i32
          %dma_wait3A_107 = tpu.memref_slice %arg4[%mul3A_2, %dma_wait3A_106] : memref<16384x2048xf32, #tpu.memory_space<hbm>> -> memref<4x2048xf32, #tpu.memory_space<hbm>>
          tpu.wait_dma2 semaphore(%arg18 : memref<!tpu.dma_semaphore, #tpu.memory_space<semaphore_mem>>) src(%arg10 : memref<4x2048xf32, #tpu.memory_space<vmem>>) dst(%dma_wait3A_107 : memref<4x2048xf32, #tpu.memory_space<hbm>>)
        } else {
        }
        %parallel_loop3A = arith.constant 0 : i32
        %parallel_loop3A_88 = arith.constant 128 : i32
        %parallel_loop3A_89 = arith.constant 1 : i32
        scf.for %parallel_loop3A_104 = %parallel_loop3A to %parallel_loop3A_88 step %parallel_loop3A_89  : i32 {
          %parallel_loop3A_105 = arith.constant 16 : i32
          %parallel_loop3A_106 = arith.muli %parallel_loop3A_104, %parallel_loop3A_105 : i32
          %parallel_loop3A_107 = arith.index_cast %parallel_loop3A_106 : i32 to index
          %parallel_loop3A_108 = tpu.vector_load %arg5[%parallel_loop3A_107] {strides = array<i32>} : memref<2048xi32, #tpu.memory_space<vmem>>, vector<16xi32>,
          %parallel_loop3A_109 = arith.constant 0 : i32
          %parallel_loop3A_110 = vector.broadcast %parallel_loop3A_109 : i32 to vector<16xi32>
          %parallel_loop3A_111 = tpu.vector_load_idx %arg6[%parallel_loop3A_110, %parallel_loop3A_108] : memref<4x2048xf32, #tpu.memory_space<vmem>>[vector<16xi32>, vector<16xi32>], vector<16xf32>,
          %parallel_loop3A_112 = arith.constant 16 : i32
          %parallel_loop3A_113 = arith.muli %parallel_loop3A_104, %parallel_loop3A_112 : i32
          %parallel_loop3A_114 = arith.constant 0 : i32
          %parallel_loop3A_115 = arith.index_cast %parallel_loop3A_114 : i32 to index
          %parallel_loop3A_116 = arith.index_cast %parallel_loop3A_113 : i32 to index
          %parallel_loop3A_117 = tpu.vector_load %arg10[%parallel_loop3A_115, %parallel_loop3A_116] {strides = array<i32>} : memref<4x2048xf32, #tpu.memory_space<vmem>>, vector<16xf32>,
          tpu.vector_store %arg10[%parallel_loop3A_115, %parallel_loop3A_116], %parallel_loop3A_111 {strides = array<i32>} : memref<4x2048xf32, #tpu.memory_space<vmem>>, vector<16xf32>,
          %parallel_loop3A_118 = arith.constant 1 : i32
          %parallel_loop3A_119 = vector.broadcast %parallel_loop3A_118 : i32 to vector<16xi32>
          %parallel_loop3A_120 = tpu.vector_load_idx %arg6[%parallel_loop3A_119, %parallel_loop3A_108] : memref<4x2048xf32, #tpu.memory_space<vmem>>[vector<16xi32>, vector<16xi32>], vector<16xf32>,
          %parallel_loop3A_121 = arith.constant 16 : i32
          %parallel_loop3A_122 = arith.muli %parallel_loop3A_104, %parallel_loop3A_121 : i32
          %parallel_loop3A_123 = arith.constant 1 : i32
          %parallel_loop3A_124 = arith.index_cast %parallel_loop3A_123 : i32 to index
          %parallel_loop3A_125 = arith.index_cast %parallel_loop3A_122 : i32 to index
          %parallel_loop3A_126 = tpu.vector_load %arg10[%parallel_loop3A_124, %parallel_loop3A_125] {strides = array<i32>} : memref<4x2048xf32, #tpu.memory_space<vmem>>, vector<16xf32>,
          tpu.vector_store %arg10[%parallel_loop3A_124, %parallel_loop3A_125], %parallel_loop3A_120 {strides = array<i32>} : memref<4x2048xf32, #tpu.memory_space<vmem>>, vector<16xf32>,
          %parallel_loop3A_127 = arith.constant 2 : i32
          %parallel_loop3A_128 = vector.broadcast %parallel_loop3A_127 : i32 to vector<16xi32>
          %parallel_loop3A_129 = tpu.vector_load_idx %arg6[%parallel_loop3A_128, %parallel_loop3A_108] : memref<4x2048xf32, #tpu.memory_space<vmem>>[vector<16xi32>, vector<16xi32>], vector<16xf32>,
          %parallel_loop3A_130 = arith.constant 16 : i32
          %parallel_loop3A_131 = arith.muli %parallel_loop3A_104, %parallel_loop3A_130 : i32
          %parallel_loop3A_132 = arith.constant 2 : i32
          %parallel_loop3A_133 = arith.index_cast %parallel_loop3A_132 : i32 to index
          %parallel_loop3A_134 = arith.index_cast %parallel_loop3A_131 : i32 to index
          %parallel_loop3A_135 = tpu.vector_load %arg10[%parallel_loop3A_133, %parallel_loop3A_134] {strides = array<i32>} : memref<4x2048xf32, #tpu.memory_space<vmem>>, vector<16xf32>,
          tpu.vector_store %arg10[%parallel_loop3A_133, %parallel_loop3A_134], %parallel_loop3A_129 {strides = array<i32>} : memref<4x2048xf32, #tpu.memory_space<vmem>>, vector<16xf32>,
          %parallel_loop3A_136 = arith.constant 3 : i32
          %parallel_loop3A_137 = vector.broadcast %parallel_loop3A_136 : i32 to vector<16xi32>
          %parallel_loop3A_138 = tpu.vector_load_idx %arg6[%parallel_loop3A_137, %parallel_loop3A_108] : memref<4x2048xf32, #tpu.memory_space<vmem>>[vector<16xi32>, vector<16xi32>], vector<16xf32>,
          %parallel_loop3A_139 = arith.constant 16 : i32
          %parallel_loop3A_140 = arith.muli %parallel_loop3A_104, %parallel_loop3A_139 : i32
          %parallel_loop3A_141 = arith.constant 3 : i32
          %parallel_loop3A_142 = arith.index_cast %parallel_loop3A_141 : i32 to index
          %parallel_loop3A_143 = arith.index_cast %parallel_loop3A_140 : i32 to index
          %parallel_loop3A_144 = tpu.vector_load %arg10[%parallel_loop3A_142, %parallel_loop3A_143] {strides = array<i32>} : memref<4x2048xf32, #tpu.memory_space<vmem>>, vector<16xf32>,
          tpu.vector_store %arg10[%parallel_loop3A_142, %parallel_loop3A_143], %parallel_loop3A_138 {strides = array<i32>} : memref<4x2048xf32, #tpu.memory_space<vmem>>, vector<16xf32>,
        } {sc.loop_unroll_factor = 8 : i64, sc.parallel_access}
        %mul3A_90 = arith.constant 4 : i32
        %mul3A_91 = arith.muli %add3A_50, %mul3A_90 : i32
        %add3A_92 = arith.addi %mul3A_2, %mul3A_91 : i32
        %dma_start3A_93 = arith.constant 0 : i32
        %dma_start3A_94 = tpu.memref_slice %arg4[%add3A_92, %dma_start3A_93] : memref<16384x2048xf32, #tpu.memory_space<hbm>> -> memref<4x2048xf32, #tpu.memory_space<hbm>>
        %dma_start3A_95 = arith.constant 0 : i32
        %dma_start3A_96 = tpu.memref_slice %arg4[%add3A_92, %dma_start3A_95] : memref<16384x2048xf32, #tpu.memory_space<hbm>> -> memref<4x2048xf32, #tpu.memory_space<hbm>>
        tpu.enqueue_dma source(%arg10 : memref<4x2048xf32, #tpu.memory_space<vmem>>) target(%dma_start3A_96 : memref<4x2048xf32, #tpu.memory_space<hbm>>) target_semaphore(%arg18 : memref<!tpu.dma_semaphore, #tpu.memory_space<semaphore_mem>>)
        %add3A_97 = arith.constant 4 : i32
        %add3A_98 = arith.addi %add3A_50, %add3A_97 : i32
        %lt3A_99 = arith.constant 128 : i32
        %lt3A_100 = arith.cmpi slt, %add3A_98, %lt3A_99 : i32
        %convert_element_type3A_101 = arith.extui %lt3A_100 : i1 to i32
        %cond3A_102 = arith.constant 0 : i32
        %cond3A_103 = arith.cmpi ne, %convert_element_type3A_101, %cond3A_102 : i32
        scf.if %cond3A_103 {
          %add3A_104 = arith.constant 4 : i32
          %add3A_105 = arith.addi %add3A_50, %add3A_104 : i32
          %mul3A_106 = arith.constant 4 : i32
          %mul3A_107 = arith.muli %add3A_105, %mul3A_106 : i32
          %add3A_108 = arith.addi %mul3A_2, %mul3A_107 : i32
          %dma_start3A_109 = arith.constant 0 : i32
          %dma_start3A_110 = tpu.memref_slice %arg2[%add3A_108, %dma_start3A_109] : memref<16384x2048xf32, #tpu.memory_space<hbm>> -> memref<4x2048xf32, #tpu.memory_space<hbm>>
          %dma_start3A_111 = arith.constant 0 : i32
          %dma_start3A_112 = tpu.memref_slice %arg2[%add3A_108, %dma_start3A_111] : memref<16384x2048xf32, #tpu.memory_space<hbm>> -> memref<4x2048xf32, #tpu.memory_space<hbm>>
          tpu.enqueue_dma source(%dma_start3A_112 : memref<4x2048xf32, #tpu.memory_space<hbm>>) target(%arg6 : memref<4x2048xf32, #tpu.memory_space<vmem>>) target_semaphore(%arg14 : memref<!tpu.dma_semaphore, #tpu.memory_space<semaphore_mem>>)
        } else {
        }
      } else {
      }
      %mul3A_53 = arith.constant 4 : i32
      %mul3A_54 = arith.muli %scan3A_46, %mul3A_53 : i32
      %add3A_55 = arith.constant 1 : i32
      %add3A_56 = arith.addi %mul3A_54, %add3A_55 : i32
      %lt3A_57 = arith.constant 128 : i32
      %lt3A_58 = arith.cmpi slt, %add3A_56, %lt3A_57 : i32
      %convert_element_type3A_59 = arith.extui %lt3A_58 : i1 to i32
      %cond3A_60 = arith.constant 0 : i32
      %cond3A_61 = arith.cmpi ne, %convert_element_type3A_59, %cond3A_60 : i32
      scf.if %cond3A_61 {
        %dma_wait3A_80 = arith.constant 0 : i32
        %dma_wait3A_81 = tpu.memref_slice %arg2[%mul3A_2, %dma_wait3A_80] : memref<16384x2048xf32, #tpu.memory_space<hbm>> -> memref<4x2048xf32, #tpu.memory_space<hbm>>
        %dma_wait3A_82 = arith.constant 0 : i32
        %dma_wait3A_83 = tpu.memref_slice %arg2[%mul3A_2, %dma_wait3A_82] : memref<16384x2048xf32, #tpu.memory_space<hbm>> -> memref<4x2048xf32, #tpu.memory_space<hbm>>
        tpu.wait_dma2 semaphore(%arg15 : memref<!tpu.dma_semaphore, #tpu.memory_space<semaphore_mem>>) src(%dma_wait3A_83 : memref<4x2048xf32, #tpu.memory_space<hbm>>) dst(%arg7 : memref<4x2048xf32, #tpu.memory_space<vmem>>)
        %gt3A = arith.constant 0 : i32
        %gt3A_84 = arith.cmpi sgt, %scan3A_46, %gt3A : i32
        %convert_element_type3A_85 = arith.extui %gt3A_84 : i1 to i32
        %cond3A_86 = arith.constant 0 : i32
        %cond3A_87 = arith.cmpi ne, %convert_element_type3A_85, %cond3A_86 : i32
        scf.if %cond3A_87 {
          %dma_wait3A_104 = arith.constant 0 : i32
          %dma_wait3A_105 = tpu.memref_slice %arg4[%mul3A_2, %dma_wait3A_104] : memref<16384x2048xf32, #tpu.memory_space<hbm>> -> memref<4x2048xf32, #tpu.memory_space<hbm>>
          %dma_wait3A_106 = arith.constant 0 : i32
          %dma_wait3A_107 = tpu.memref_slice %arg4[%mul3A_2, %dma_wait3A_106] : memref<16384x2048xf32, #tpu.memory_space<hbm>> -> memref<4x2048xf32, #tpu.memory_space<hbm>>
          tpu.wait_dma2 semaphore(%arg19 : memref<!tpu.dma_semaphore, #tpu.memory_space<semaphore_mem>>) src(%arg11 : memref<4x2048xf32, #tpu.memory_space<vmem>>) dst(%dma_wait3A_107 : memref<4x2048xf32, #tpu.memory_space<hbm>>)
        } else {
        }
        %parallel_loop3A = arith.constant 0 : i32
        %parallel_loop3A_88 = arith.constant 128 : i32
        %parallel_loop3A_89 = arith.constant 1 : i32
        scf.for %parallel_loop3A_104 = %parallel_loop3A to %parallel_loop3A_88 step %parallel_loop3A_89  : i32 {
          %parallel_loop3A_105 = arith.constant 16 : i32
          %parallel_loop3A_106 = arith.muli %parallel_loop3A_104, %parallel_loop3A_105 : i32
          %parallel_loop3A_107 = arith.index_cast %parallel_loop3A_106 : i32 to index
          %parallel_loop3A_108 = tpu.vector_load %arg5[%parallel_loop3A_107] {strides = array<i32>} : memref<2048xi32, #tpu.memory_space<vmem>>, vector<16xi32>,
          %parallel_loop3A_109 = arith.constant 0 : i32
          %parallel_loop3A_110 = vector.broadcast %parallel_loop3A_109 : i32 to vector<16xi32>
          %parallel_loop3A_111 = tpu.vector_load_idx %arg7[%parallel_loop3A_110, %parallel_loop3A_108] : memref<4x2048xf32, #tpu.memory_space<vmem>>[vector<16xi32>, vector<16xi32>], vector<16xf32>,
          %parallel_loop3A_112 = arith.constant 16 : i32
          %parallel_loop3A_113 = arith.muli %parallel_loop3A_104, %parallel_loop3A_112 : i32
          %parallel_loop3A_114 = arith.constant 0 : i32
          %parallel_loop3A_115 = arith.index_cast %parallel_loop3A_114 : i32 to index
          %parallel_loop3A_116 = arith.index_cast %parallel_loop3A_113 : i32 to index
          %parallel_loop3A_117 = tpu.vector_load %arg11[%parallel_loop3A_115, %parallel_loop3A_116] {strides = array<i32>} : memref<4x2048xf32, #tpu.memory_space<vmem>>, vector<16xf32>,
          tpu.vector_store %arg11[%parallel_loop3A_115, %parallel_loop3A_116], %parallel_loop3A_111 {strides = array<i32>} : memref<4x2048xf32, #tpu.memory_space<vmem>>, vector<16xf32>,
          %parallel_loop3A_118 = arith.constant 1 : i32
          %parallel_loop3A_119 = vector.broadcast %parallel_loop3A_118 : i32 to vector<16xi32>
          %parallel_loop3A_120 = tpu.vector_load_idx %arg7[%parallel_loop3A_119, %parallel_loop3A_108] : memref<4x2048xf32, #tpu.memory_space<vmem>>[vector<16xi32>, vector<16xi32>], vector<16xf32>,
          %parallel_loop3A_121 = arith.constant 16 : i32
          %parallel_loop3A_122 = arith.muli %parallel_loop3A_104, %parallel_loop3A_121 : i32
          %parallel_loop3A_123 = arith.constant 1 : i32
          %parallel_loop3A_124 = arith.index_cast %parallel_loop3A_123 : i32 to index
          %parallel_loop3A_125 = arith.index_cast %parallel_loop3A_122 : i32 to index
          %parallel_loop3A_126 = tpu.vector_load %arg11[%parallel_loop3A_124, %parallel_loop3A_125] {strides = array<i32>} : memref<4x2048xf32, #tpu.memory_space<vmem>>, vector<16xf32>,
          tpu.vector_store %arg11[%parallel_loop3A_124, %parallel_loop3A_125], %parallel_loop3A_120 {strides = array<i32>} : memref<4x2048xf32, #tpu.memory_space<vmem>>, vector<16xf32>,
          %parallel_loop3A_127 = arith.constant 2 : i32
          %parallel_loop3A_128 = vector.broadcast %parallel_loop3A_127 : i32 to vector<16xi32>
          %parallel_loop3A_129 = tpu.vector_load_idx %arg7[%parallel_loop3A_128, %parallel_loop3A_108] : memref<4x2048xf32, #tpu.memory_space<vmem>>[vector<16xi32>, vector<16xi32>], vector<16xf32>,
          %parallel_loop3A_130 = arith.constant 16 : i32
          %parallel_loop3A_131 = arith.muli %parallel_loop3A_104, %parallel_loop3A_130 : i32
          %parallel_loop3A_132 = arith.constant 2 : i32
          %parallel_loop3A_133 = arith.index_cast %parallel_loop3A_132 : i32 to index
          %parallel_loop3A_134 = arith.index_cast %parallel_loop3A_131 : i32 to index
          %parallel_loop3A_135 = tpu.vector_load %arg11[%parallel_loop3A_133, %parallel_loop3A_134] {strides = array<i32>} : memref<4x2048xf32, #tpu.memory_space<vmem>>, vector<16xf32>,
          tpu.vector_store %arg11[%parallel_loop3A_133, %parallel_loop3A_134], %parallel_loop3A_129 {strides = array<i32>} : memref<4x2048xf32, #tpu.memory_space<vmem>>, vector<16xf32>,
          %parallel_loop3A_136 = arith.constant 3 : i32
          %parallel_loop3A_137 = vector.broadcast %parallel_loop3A_136 : i32 to vector<16xi32>
          %parallel_loop3A_138 = tpu.vector_load_idx %arg7[%parallel_loop3A_137, %parallel_loop3A_108] : memref<4x2048xf32, #tpu.memory_space<vmem>>[vector<16xi32>, vector<16xi32>], vector<16xf32>,
          %parallel_loop3A_139 = arith.constant 16 : i32
          %parallel_loop3A_140 = arith.muli %parallel_loop3A_104, %parallel_loop3A_139 : i32
          %parallel_loop3A_141 = arith.constant 3 : i32
          %parallel_loop3A_142 = arith.index_cast %parallel_loop3A_141 : i32 to index
          %parallel_loop3A_143 = arith.index_cast %parallel_loop3A_140 : i32 to index
          %parallel_loop3A_144 = tpu.vector_load %arg11[%parallel_loop3A_142, %parallel_loop3A_143] {strides = array<i32>} : memref<4x2048xf32, #tpu.memory_space<vmem>>, vector<16xf32>,
          tpu.vector_store %arg11[%parallel_loop3A_142, %parallel_loop3A_143], %parallel_loop3A_138 {strides = array<i32>} : memref<4x2048xf32, #tpu.memory_space<vmem>>, vector<16xf32>,
        } {sc.loop_unroll_factor = 8 : i64, sc.parallel_access}
        %mul3A_90 = arith.constant 4 : i32
        %mul3A_91 = arith.muli %add3A_56, %mul3A_90 : i32
        %add3A_92 = arith.addi %mul3A_2, %mul3A_91 : i32
        %dma_start3A_93 = arith.constant 0 : i32
        %dma_start3A_94 = tpu.memref_slice %arg4[%add3A_92, %dma_start3A_93] : memref<16384x2048xf32, #tpu.memory_space<hbm>> -> memref<4x2048xf32, #tpu.memory_space<hbm>>
        %dma_start3A_95 = arith.constant 0 : i32
        %dma_start3A_96 = tpu.memref_slice %arg4[%add3A_92, %dma_start3A_95] : memref<16384x2048xf32, #tpu.memory_space<hbm>> -> memref<4x2048xf32, #tpu.memory_space<hbm>>
        tpu.enqueue_dma source(%arg11 : memref<4x2048xf32, #tpu.memory_space<vmem>>) target(%dma_start3A_96 : memref<4x2048xf32, #tpu.memory_space<hbm>>) target_semaphore(%arg19 : memref<!tpu.dma_semaphore, #tpu.memory_space<semaphore_mem>>)
        %add3A_97 = arith.constant 4 : i32
        %add3A_98 = arith.addi %add3A_56, %add3A_97 : i32
        %lt3A_99 = arith.constant 128 : i32
        %lt3A_100 = arith.cmpi slt, %add3A_98, %lt3A_99 : i32
        %convert_element_type3A_101 = arith.extui %lt3A_100 : i1 to i32
        %cond3A_102 = arith.constant 0 : i32
        %cond3A_103 = arith.cmpi ne, %convert_element_type3A_101, %cond3A_102 : i32
        scf.if %cond3A_103 {
          %add3A_104 = arith.constant 4 : i32
          %add3A_105 = arith.addi %add3A_56, %add3A_104 : i32
          %mul3A_106 = arith.constant 4 : i32
          %mul3A_107 = arith.muli %add3A_105, %mul3A_106 : i32
          %add3A_108 = arith.addi %mul3A_2, %mul3A_107 : i32
          %dma_start3A_109 = arith.constant 0 : i32
          %dma_start3A_110 = tpu.memref_slice %arg2[%add3A_108, %dma_start3A_109] : memref<16384x2048xf32, #tpu.memory_space<hbm>> -> memref<4x2048xf32, #tpu.memory_space<hbm>>
          %dma_start3A_111 = arith.constant 0 : i32
          %dma_start3A_112 = tpu.memref_slice %arg2[%add3A_108, %dma_start3A_111] : memref<16384x2048xf32, #tpu.memory_space<hbm>> -> memref<4x2048xf32, #tpu.memory_space<hbm>>
          tpu.enqueue_dma source(%dma_start3A_112 : memref<4x2048xf32, #tpu.memory_space<hbm>>) target(%arg7 : memref<4x2048xf32, #tpu.memory_space<vmem>>) target_semaphore(%arg15 : memref<!tpu.dma_semaphore, #tpu.memory_space<semaphore_mem>>)
        } else {
        }
      } else {
      }
      %mul3A_62 = arith.constant 4 : i32
      %mul3A_63 = arith.muli %scan3A_46, %mul3A_62 : i32
      %add3A_64 = arith.constant 2 : i32
      %add3A_65 = arith.addi %mul3A_63, %add3A_64 : i32
      %lt3A_66 = arith.constant 128 : i32
      %lt3A_67 = arith.cmpi slt, %add3A_65, %lt3A_66 : i32
      %convert_element_type3A_68 = arith.extui %lt3A_67 : i1 to i32
      %cond3A_69 = arith.constant 0 : i32
      %cond3A_70 = arith.cmpi ne, %convert_element_type3A_68, %cond3A_69 : i32
      scf.if %cond3A_70 {
        %dma_wait3A_80 = arith.constant 0 : i32
        %dma_wait3A_81 = tpu.memref_slice %arg2[%mul3A_2, %dma_wait3A_80] : memref<16384x2048xf32, #tpu.memory_space<hbm>> -> memref<4x2048xf32, #tpu.memory_space<hbm>>
        %dma_wait3A_82 = arith.constant 0 : i32
        %dma_wait3A_83 = tpu.memref_slice %arg2[%mul3A_2, %dma_wait3A_82] : memref<16384x2048xf32, #tpu.memory_space<hbm>> -> memref<4x2048xf32, #tpu.memory_space<hbm>>
        tpu.wait_dma2 semaphore(%arg16 : memref<!tpu.dma_semaphore, #tpu.memory_space<semaphore_mem>>) src(%dma_wait3A_83 : memref<4x2048xf32, #tpu.memory_space<hbm>>) dst(%arg8 : memref<4x2048xf32, #tpu.memory_space<vmem>>)
        %gt3A = arith.constant 0 : i32
        %gt3A_84 = arith.cmpi sgt, %scan3A_46, %gt3A : i32
        %convert_element_type3A_85 = arith.extui %gt3A_84 : i1 to i32
        %cond3A_86 = arith.constant 0 : i32
        %cond3A_87 = arith.cmpi ne, %convert_element_type3A_85, %cond3A_86 : i32
        scf.if %cond3A_87 {
          %dma_wait3A_104 = arith.constant 0 : i32
          %dma_wait3A_105 = tpu.memref_slice %arg4[%mul3A_2, %dma_wait3A_104] : memref<16384x2048xf32, #tpu.memory_space<hbm>> -> memref<4x2048xf32, #tpu.memory_space<hbm>>
          %dma_wait3A_106 = arith.constant 0 : i32
          %dma_wait3A_107 = tpu.memref_slice %arg4[%mul3A_2, %dma_wait3A_106] : memref<16384x2048xf32, #tpu.memory_space<hbm>> -> memref<4x2048xf32, #tpu.memory_space<hbm>>
          tpu.wait_dma2 semaphore(%arg20 : memref<!tpu.dma_semaphore, #tpu.memory_space<semaphore_mem>>) src(%arg12 : memref<4x2048xf32, #tpu.memory_space<vmem>>) dst(%dma_wait3A_107 : memref<4x2048xf32, #tpu.memory_space<hbm>>)
        } else {
        }
        %parallel_loop3A = arith.constant 0 : i32
        %parallel_loop3A_88 = arith.constant 128 : i32
        %parallel_loop3A_89 = arith.constant 1 : i32
        scf.for %parallel_loop3A_104 = %parallel_loop3A to %parallel_loop3A_88 step %parallel_loop3A_89  : i32 {
          %parallel_loop3A_105 = arith.constant 16 : i32
          %parallel_loop3A_106 = arith.muli %parallel_loop3A_104, %parallel_loop3A_105 : i32
          %parallel_loop3A_107 = arith.index_cast %parallel_loop3A_106 : i32 to index
          %parallel_loop3A_108 = tpu.vector_load %arg5[%parallel_loop3A_107] {strides = array<i32>} : memref<2048xi32, #tpu.memory_space<vmem>>, vector<16xi32>,
          %parallel_loop3A_109 = arith.constant 0 : i32
          %parallel_loop3A_110 = vector.broadcast %parallel_loop3A_109 : i32 to vector<16xi32>
          %parallel_loop3A_111 = tpu.vector_load_idx %arg8[%parallel_loop3A_110, %parallel_loop3A_108] : memref<4x2048xf32, #tpu.memory_space<vmem>>[vector<16xi32>, vector<16xi32>], vector<16xf32>,
          %parallel_loop3A_112 = arith.constant 16 : i32
          %parallel_loop3A_113 = arith.muli %parallel_loop3A_104, %parallel_loop3A_112 : i32
          %parallel_loop3A_114 = arith.constant 0 : i32
          %parallel_loop3A_115 = arith.index_cast %parallel_loop3A_114 : i32 to index
          %parallel_loop3A_116 = arith.index_cast %parallel_loop3A_113 : i32 to index
          %parallel_loop3A_117 = tpu.vector_load %arg12[%parallel_loop3A_115, %parallel_loop3A_116] {strides = array<i32>} : memref<4x2048xf32, #tpu.memory_space<vmem>>, vector<16xf32>,
          tpu.vector_store %arg12[%parallel_loop3A_115, %parallel_loop3A_116], %parallel_loop3A_111 {strides = array<i32>} : memref<4x2048xf32, #tpu.memory_space<vmem>>, vector<16xf32>,
          %parallel_loop3A_118 = arith.constant 1 : i32
          %parallel_loop3A_119 = vector.broadcast %parallel_loop3A_118 : i32 to vector<16xi32>
          %parallel_loop3A_120 = tpu.vector_load_idx %arg8[%parallel_loop3A_119, %parallel_loop3A_108] : memref<4x2048xf32, #tpu.memory_space<vmem>>[vector<16xi32>, vector<16xi32>], vector<16xf32>,
          %parallel_loop3A_121 = arith.constant 16 : i32
          %parallel_loop3A_122 = arith.muli %parallel_loop3A_104, %parallel_loop3A_121 : i32
          %parallel_loop3A_123 = arith.constant 1 : i32
          %parallel_loop3A_124 = arith.index_cast %parallel_loop3A_123 : i32 to index
          %parallel_loop3A_125 = arith.index_cast %parallel_loop3A_122 : i32 to index
          %parallel_loop3A_126 = tpu.vector_load %arg12[%parallel_loop3A_124, %parallel_loop3A_125] {strides = array<i32>} : memref<4x2048xf32, #tpu.memory_space<vmem>>, vector<16xf32>,
          tpu.vector_store %arg12[%parallel_loop3A_124, %parallel_loop3A_125], %parallel_loop3A_120 {strides = array<i32>} : memref<4x2048xf32, #tpu.memory_space<vmem>>, vector<16xf32>,
          %parallel_loop3A_127 = arith.constant 2 : i32
          %parallel_loop3A_128 = vector.broadcast %parallel_loop3A_127 : i32 to vector<16xi32>
          %parallel_loop3A_129 = tpu.vector_load_idx %arg8[%parallel_loop3A_128, %parallel_loop3A_108] : memref<4x2048xf32, #tpu.memory_space<vmem>>[vector<16xi32>, vector<16xi32>], vector<16xf32>,
          %parallel_loop3A_130 = arith.constant 16 : i32
          %parallel_loop3A_131 = arith.muli %parallel_loop3A_104, %parallel_loop3A_130 : i32
          %parallel_loop3A_132 = arith.constant 2 : i32
          %parallel_loop3A_133 = arith.index_cast %parallel_loop3A_132 : i32 to index
          %parallel_loop3A_134 = arith.index_cast %parallel_loop3A_131 : i32 to index
          %parallel_loop3A_135 = tpu.vector_load %arg12[%parallel_loop3A_133, %parallel_loop3A_134] {strides = array<i32>} : memref<4x2048xf32, #tpu.memory_space<vmem>>, vector<16xf32>,
          tpu.vector_store %arg12[%parallel_loop3A_133, %parallel_loop3A_134], %parallel_loop3A_129 {strides = array<i32>} : memref<4x2048xf32, #tpu.memory_space<vmem>>, vector<16xf32>,
          %parallel_loop3A_136 = arith.constant 3 : i32
          %parallel_loop3A_137 = vector.broadcast %parallel_loop3A_136 : i32 to vector<16xi32>
          %parallel_loop3A_138 = tpu.vector_load_idx %arg8[%parallel_loop3A_137, %parallel_loop3A_108] : memref<4x2048xf32, #tpu.memory_space<vmem>>[vector<16xi32>, vector<16xi32>], vector<16xf32>,
          %parallel_loop3A_139 = arith.constant 16 : i32
          %parallel_loop3A_140 = arith.muli %parallel_loop3A_104, %parallel_loop3A_139 : i32
          %parallel_loop3A_141 = arith.constant 3 : i32
          %parallel_loop3A_142 = arith.index_cast %parallel_loop3A_141 : i32 to index
          %parallel_loop3A_143 = arith.index_cast %parallel_loop3A_140 : i32 to index
          %parallel_loop3A_144 = tpu.vector_load %arg12[%parallel_loop3A_142, %parallel_loop3A_143] {strides = array<i32>} : memref<4x2048xf32, #tpu.memory_space<vmem>>, vector<16xf32>,
          tpu.vector_store %arg12[%parallel_loop3A_142, %parallel_loop3A_143], %parallel_loop3A_138 {strides = array<i32>} : memref<4x2048xf32, #tpu.memory_space<vmem>>, vector<16xf32>,
        } {sc.loop_unroll_factor = 8 : i64, sc.parallel_access}
        %mul3A_90 = arith.constant 4 : i32
        %mul3A_91 = arith.muli %add3A_65, %mul3A_90 : i32
        %add3A_92 = arith.addi %mul3A_2, %mul3A_91 : i32
        %dma_start3A_93 = arith.constant 0 : i32
        %dma_start3A_94 = tpu.memref_slice %arg4[%add3A_92, %dma_start3A_93] : memref<16384x2048xf32, #tpu.memory_space<hbm>> -> memref<4x2048xf32, #tpu.memory_space<hbm>>
        %dma_start3A_95 = arith.constant 0 : i32
        %dma_start3A_96 = tpu.memref_slice %arg4[%add3A_92, %dma_start3A_95] : memref<16384x2048xf32, #tpu.memory_space<hbm>> -> memref<4x2048xf32, #tpu.memory_space<hbm>>
        tpu.enqueue_dma source(%arg12 : memref<4x2048xf32, #tpu.memory_space<vmem>>) target(%dma_start3A_96 : memref<4x2048xf32, #tpu.memory_space<hbm>>) target_semaphore(%arg20 : memref<!tpu.dma_semaphore, #tpu.memory_space<semaphore_mem>>)
        %add3A_97 = arith.constant 4 : i32
        %add3A_98 = arith.addi %add3A_65, %add3A_97 : i32
        %lt3A_99 = arith.constant 128 : i32
        %lt3A_100 = arith.cmpi slt, %add3A_98, %lt3A_99 : i32
        %convert_element_type3A_101 = arith.extui %lt3A_100 : i1 to i32
        %cond3A_102 = arith.constant 0 : i32
        %cond3A_103 = arith.cmpi ne, %convert_element_type3A_101, %cond3A_102 : i32
        scf.if %cond3A_103 {
          %add3A_104 = arith.constant 4 : i32
          %add3A_105 = arith.addi %add3A_65, %add3A_104 : i32
          %mul3A_106 = arith.constant 4 : i32
          %mul3A_107 = arith.muli %add3A_105, %mul3A_106 : i32
          %add3A_108 = arith.addi %mul3A_2, %mul3A_107 : i32
          %dma_start3A_109 = arith.constant 0 : i32
          %dma_start3A_110 = tpu.memref_slice %arg2[%add3A_108, %dma_start3A_109] : memref<16384x2048xf32, #tpu.memory_space<hbm>> -> memref<4x2048xf32, #tpu.memory_space<hbm>>
          %dma_start3A_111 = arith.constant 0 : i32
          %dma_start3A_112 = tpu.memref_slice %arg2[%add3A_108, %dma_start3A_111] : memref<16384x2048xf32, #tpu.memory_space<hbm>> -> memref<4x2048xf32, #tpu.memory_space<hbm>>
          tpu.enqueue_dma source(%dma_start3A_112 : memref<4x2048xf32, #tpu.memory_space<hbm>>) target(%arg8 : memref<4x2048xf32, #tpu.memory_space<vmem>>) target_semaphore(%arg16 : memref<!tpu.dma_semaphore, #tpu.memory_space<semaphore_mem>>)
        } else {
        }
      } else {
      }
      %mul3A_71 = arith.constant 4 : i32
      %mul3A_72 = arith.muli %scan3A_46, %mul3A_71 : i32
      %add3A_73 = arith.constant 3 : i32
      %add3A_74 = arith.addi %mul3A_72, %add3A_73 : i32
      %lt3A_75 = arith.constant 128 : i32
      %lt3A_76 = arith.cmpi slt, %add3A_74, %lt3A_75 : i32
      %convert_element_type3A_77 = arith.extui %lt3A_76 : i1 to i32
      %cond3A_78 = arith.constant 0 : i32
      %cond3A_79 = arith.cmpi ne, %convert_element_type3A_77, %cond3A_78 : i32
      scf.if %cond3A_79 {
        %dma_wait3A_80 = arith.constant 0 : i32
        %dma_wait3A_81 = tpu.memref_slice %arg2[%mul3A_2, %dma_wait3A_80] : memref<16384x2048xf32, #tpu.memory_space<hbm>> -> memref<4x2048xf32, #tpu.memory_space<hbm>>
        %dma_wait3A_82 = arith.constant 0 : i32
        %dma_wait3A_83 = tpu.memref_slice %arg2[%mul3A_2, %dma_wait3A_82] : memref<16384x2048xf32, #tpu.memory_space<hbm>> -> memref<4x2048xf32, #tpu.memory_space<hbm>>
        tpu.wait_dma2 semaphore(%arg17 : memref<!tpu.dma_semaphore, #tpu.memory_space<semaphore_mem>>) src(%dma_wait3A_83 : memref<4x2048xf32, #tpu.memory_space<hbm>>) dst(%arg9 : memref<4x2048xf32, #tpu.memory_space<vmem>>)
        %gt3A = arith.constant 0 : i32
        %gt3A_84 = arith.cmpi sgt, %scan3A_46, %gt3A : i32
        %convert_element_type3A_85 = arith.extui %gt3A_84 : i1 to i32
        %cond3A_86 = arith.constant 0 : i32
        %cond3A_87 = arith.cmpi ne, %convert_element_type3A_85, %cond3A_86 : i32
        scf.if %cond3A_87 {
          %dma_wait3A_104 = arith.constant 0 : i32
          %dma_wait3A_105 = tpu.memref_slice %arg4[%mul3A_2, %dma_wait3A_104] : memref<16384x2048xf32, #tpu.memory_space<hbm>> -> memref<4x2048xf32, #tpu.memory_space<hbm>>
          %dma_wait3A_106 = arith.constant 0 : i32
          %dma_wait3A_107 = tpu.memref_slice %arg4[%mul3A_2, %dma_wait3A_106] : memref<16384x2048xf32, #tpu.memory_space<hbm>> -> memref<4x2048xf32, #tpu.memory_space<hbm>>
          tpu.wait_dma2 semaphore(%arg21 : memref<!tpu.dma_semaphore, #tpu.memory_space<semaphore_mem>>) src(%arg13 : memref<4x2048xf32, #tpu.memory_space<vmem>>) dst(%dma_wait3A_107 : memref<4x2048xf32, #tpu.memory_space<hbm>>)
        } else {
        }
        %parallel_loop3A = arith.constant 0 : i32
        %parallel_loop3A_88 = arith.constant 128 : i32
        %parallel_loop3A_89 = arith.constant 1 : i32
        scf.for %parallel_loop3A_104 = %parallel_loop3A to %parallel_loop3A_88 step %parallel_loop3A_89  : i32 {
          %parallel_loop3A_105 = arith.constant 16 : i32
          %parallel_loop3A_106 = arith.muli %parallel_loop3A_104, %parallel_loop3A_105 : i32
          %parallel_loop3A_107 = arith.index_cast %parallel_loop3A_106 : i32 to index
          %parallel_loop3A_108 = tpu.vector_load %arg5[%parallel_loop3A_107] {strides = array<i32>} : memref<2048xi32, #tpu.memory_space<vmem>>, vector<16xi32>,
          %parallel_loop3A_109 = arith.constant 0 : i32
          %parallel_loop3A_110 = vector.broadcast %parallel_loop3A_109 : i32 to vector<16xi32>
          %parallel_loop3A_111 = tpu.vector_load_idx %arg9[%parallel_loop3A_110, %parallel_loop3A_108] : memref<4x2048xf32, #tpu.memory_space<vmem>>[vector<16xi32>, vector<16xi32>], vector<16xf32>,
          %parallel_loop3A_112 = arith.constant 16 : i32
          %parallel_loop3A_113 = arith.muli %parallel_loop3A_104, %parallel_loop3A_112 : i32
          %parallel_loop3A_114 = arith.constant 0 : i32
          %parallel_loop3A_115 = arith.index_cast %parallel_loop3A_114 : i32 to index
          %parallel_loop3A_116 = arith.index_cast %parallel_loop3A_113 : i32 to index
          %parallel_loop3A_117 = tpu.vector_load %arg13[%parallel_loop3A_115, %parallel_loop3A_116] {strides = array<i32>} : memref<4x2048xf32, #tpu.memory_space<vmem>>, vector<16xf32>,
          tpu.vector_store %arg13[%parallel_loop3A_115, %parallel_loop3A_116], %parallel_loop3A_111 {strides = array<i32>} : memref<4x2048xf32, #tpu.memory_space<vmem>>, vector<16xf32>,
          %parallel_loop3A_118 = arith.constant 1 : i32
          %parallel_loop3A_119 = vector.broadcast %parallel_loop3A_118 : i32 to vector<16xi32>
          %parallel_loop3A_120 = tpu.vector_load_idx %arg9[%parallel_loop3A_119, %parallel_loop3A_108] : memref<4x2048xf32, #tpu.memory_space<vmem>>[vector<16xi32>, vector<16xi32>], vector<16xf32>,
          %parallel_loop3A_121 = arith.constant 16 : i32
          %parallel_loop3A_122 = arith.muli %parallel_loop3A_104, %parallel_loop3A_121 : i32
          %parallel_loop3A_123 = arith.constant 1 : i32
          %parallel_loop3A_124 = arith.index_cast %parallel_loop3A_123 : i32 to index
          %parallel_loop3A_125 = arith.index_cast %parallel_loop3A_122 : i32 to index
          %parallel_loop3A_126 = tpu.vector_load %arg13[%parallel_loop3A_124, %parallel_loop3A_125] {strides = array<i32>} : memref<4x2048xf32, #tpu.memory_space<vmem>>, vector<16xf32>,
          tpu.vector_store %arg13[%parallel_loop3A_124, %parallel_loop3A_125], %parallel_loop3A_120 {strides = array<i32>} : memref<4x2048xf32, #tpu.memory_space<vmem>>, vector<16xf32>,
          %parallel_loop3A_127 = arith.constant 2 : i32
          %parallel_loop3A_128 = vector.broadcast %parallel_loop3A_127 : i32 to vector<16xi32>
          %parallel_loop3A_129 = tpu.vector_load_idx %arg9[%parallel_loop3A_128, %parallel_loop3A_108] : memref<4x2048xf32, #tpu.memory_space<vmem>>[vector<16xi32>, vector<16xi32>], vector<16xf32>,
          %parallel_loop3A_130 = arith.constant 16 : i32
          %parallel_loop3A_131 = arith.muli %parallel_loop3A_104, %parallel_loop3A_130 : i32
          %parallel_loop3A_132 = arith.constant 2 : i32
          %parallel_loop3A_133 = arith.index_cast %parallel_loop3A_132 : i32 to index
          %parallel_loop3A_134 = arith.index_cast %parallel_loop3A_131 : i32 to index
          %parallel_loop3A_135 = tpu.vector_load %arg13[%parallel_loop3A_133, %parallel_loop3A_134] {strides = array<i32>} : memref<4x2048xf32, #tpu.memory_space<vmem>>, vector<16xf32>,
          tpu.vector_store %arg13[%parallel_loop3A_133, %parallel_loop3A_134], %parallel_loop3A_129 {strides = array<i32>} : memref<4x2048xf32, #tpu.memory_space<vmem>>, vector<16xf32>,
          %parallel_loop3A_136 = arith.constant 3 : i32
          %parallel_loop3A_137 = vector.broadcast %parallel_loop3A_136 : i32 to vector<16xi32>
          %parallel_loop3A_138 = tpu.vector_load_idx %arg9[%parallel_loop3A_137, %parallel_loop3A_108] : memref<4x2048xf32, #tpu.memory_space<vmem>>[vector<16xi32>, vector<16xi32>], vector<16xf32>,
          %parallel_loop3A_139 = arith.constant 16 : i32
          %parallel_loop3A_140 = arith.muli %parallel_loop3A_104, %parallel_loop3A_139 : i32
          %parallel_loop3A_141 = arith.constant 3 : i32
          %parallel_loop3A_142 = arith.index_cast %parallel_loop3A_141 : i32 to index
          %parallel_loop3A_143 = arith.index_cast %parallel_loop3A_140 : i32 to index
          %parallel_loop3A_144 = tpu.vector_load %arg13[%parallel_loop3A_142, %parallel_loop3A_143] {strides = array<i32>} : memref<4x2048xf32, #tpu.memory_space<vmem>>, vector<16xf32>,
          tpu.vector_store %arg13[%parallel_loop3A_142, %parallel_loop3A_143], %parallel_loop3A_138 {strides = array<i32>} : memref<4x2048xf32, #tpu.memory_space<vmem>>, vector<16xf32>,
        } {sc.loop_unroll_factor = 8 : i64, sc.parallel_access}
        %mul3A_90 = arith.constant 4 : i32
        %mul3A_91 = arith.muli %add3A_74, %mul3A_90 : i32
        %add3A_92 = arith.addi %mul3A_2, %mul3A_91 : i32
        %dma_start3A_93 = arith.constant 0 : i32
        %dma_start3A_94 = tpu.memref_slice %arg4[%add3A_92, %dma_start3A_93] : memref<16384x2048xf32, #tpu.memory_space<hbm>> -> memref<4x2048xf32, #tpu.memory_space<hbm>>
        %dma_start3A_95 = arith.constant 0 : i32
        %dma_start3A_96 = tpu.memref_slice %arg4[%add3A_92, %dma_start3A_95] : memref<16384x2048xf32, #tpu.memory_space<hbm>> -> memref<4x2048xf32, #tpu.memory_space<hbm>>
        tpu.enqueue_dma source(%arg13 : memref<4x2048xf32, #tpu.memory_space<vmem>>) target(%dma_start3A_96 : memref<4x2048xf32, #tpu.memory_space<hbm>>) target_semaphore(%arg21 : memref<!tpu.dma_semaphore, #tpu.memory_space<semaphore_mem>>)
        %add3A_97 = arith.constant 4 : i32
        %add3A_98 = arith.addi %add3A_74, %add3A_97 : i32
        %lt3A_99 = arith.constant 128 : i32
        %lt3A_100 = arith.cmpi slt, %add3A_98, %lt3A_99 : i32
        %convert_element_type3A_101 = arith.extui %lt3A_100 : i1 to i32
        %cond3A_102 = arith.constant 0 : i32
        %cond3A_103 = arith.cmpi ne, %convert_element_type3A_101, %cond3A_102 : i32
        scf.if %cond3A_103 {
          %add3A_104 = arith.constant 4 : i32
          %add3A_105 = arith.addi %add3A_74, %add3A_104 : i32
          %mul3A_106 = arith.constant 4 : i32
          %mul3A_107 = arith.muli %add3A_105, %mul3A_106 : i32
          %add3A_108 = arith.addi %mul3A_2, %mul3A_107 : i32
          %dma_start3A_109 = arith.constant 0 : i32
          %dma_start3A_110 = tpu.memref_slice %arg2[%add3A_108, %dma_start3A_109] : memref<16384x2048xf32, #tpu.memory_space<hbm>> -> memref<4x2048xf32, #tpu.memory_space<hbm>>
          %dma_start3A_111 = arith.constant 0 : i32
          %dma_start3A_112 = tpu.memref_slice %arg2[%add3A_108, %dma_start3A_111] : memref<16384x2048xf32, #tpu.memory_space<hbm>> -> memref<4x2048xf32, #tpu.memory_space<hbm>>
          tpu.enqueue_dma source(%dma_start3A_112 : memref<4x2048xf32, #tpu.memory_space<hbm>>) target(%arg9 : memref<4x2048xf32, #tpu.memory_space<vmem>>) target_semaphore(%arg17 : memref<!tpu.dma_semaphore, #tpu.memory_space<semaphore_mem>>)
        } else {
        }
      } else {
      }
    }
    %scan3A_30 = arith.constant 32 : i32
    %dma_wait3A = arith.constant 0 : i32
    %dma_wait3A_31 = tpu.memref_slice %arg4[%mul3A_2, %dma_wait3A] : memref<16384x2048xf32, #tpu.memory_space<hbm>> -> memref<4x2048xf32, #tpu.memory_space<hbm>>
    %dma_wait3A_32 = arith.constant 0 : i32
    %dma_wait3A_33 = tpu.memref_slice %arg4[%mul3A_2, %dma_wait3A_32] : memref<16384x2048xf32, #tpu.memory_space<hbm>> -> memref<4x2048xf32, #tpu.memory_space<hbm>>
    tpu.wait_dma2 semaphore(%arg18 : memref<!tpu.dma_semaphore, #tpu.memory_space<semaphore_mem>>) src(%arg10 : memref<4x2048xf32, #tpu.memory_space<vmem>>) dst(%dma_wait3A_33 : memref<4x2048xf32, #tpu.memory_space<hbm>>)
    %dma_wait3A_34 = arith.constant 0 : i32
    %dma_wait3A_35 = tpu.memref_slice %arg4[%mul3A_2, %dma_wait3A_34] : memref<16384x2048xf32, #tpu.memory_space<hbm>> -> memref<4x2048xf32, #tpu.memory_space<hbm>>
    %dma_wait3A_36 = arith.constant 0 : i32
    %dma_wait3A_37 = tpu.memref_slice %arg4[%mul3A_2, %dma_wait3A_36] : memref<16384x2048xf32, #tpu.memory_space<hbm>> -> memref<4x2048xf32, #tpu.memory_space<hbm>>
    tpu.wait_dma2 semaphore(%arg19 : memref<!tpu.dma_semaphore, #tpu.memory_space<semaphore_mem>>) src(%arg11 : memref<4x2048xf32, #tpu.memory_space<vmem>>) dst(%dma_wait3A_37 : memref<4x2048xf32, #tpu.memory_space<hbm>>)
    %dma_wait3A_38 = arith.constant 0 : i32
    %dma_wait3A_39 = tpu.memref_slice %arg4[%mul3A_2, %dma_wait3A_38] : memref<16384x2048xf32, #tpu.memory_space<hbm>> -> memref<4x2048xf32, #tpu.memory_space<hbm>>
    %dma_wait3A_40 = arith.constant 0 : i32
    %dma_wait3A_41 = tpu.memref_slice %arg4[%mul3A_2, %dma_wait3A_40] : memref<16384x2048xf32, #tpu.memory_space<hbm>> -> memref<4x2048xf32, #tpu.memory_space<hbm>>
    tpu.wait_dma2 semaphore(%arg20 : memref<!tpu.dma_semaphore, #tpu.memory_space<semaphore_mem>>) src(%arg12 : memref<4x2048xf32, #tpu.memory_space<vmem>>) dst(%dma_wait3A_41 : memref<4x2048xf32, #tpu.memory_space<hbm>>)
    %dma_wait3A_42 = arith.constant 0 : i32
    %dma_wait3A_43 = tpu.memref_slice %arg4[%mul3A_2, %dma_wait3A_42] : memref<16384x2048xf32, #tpu.memory_space<hbm>> -> memref<4x2048xf32, #tpu.memory_space<hbm>>
    %dma_wait3A_44 = arith.constant 0 : i32
    %dma_wait3A_45 = tpu.memref_slice %arg4[%mul3A_2, %dma_wait3A_44] : memref<16384x2048xf32, #tpu.memory_space<hbm>> -> memref<4x2048xf32, #tpu.memory_space<hbm>>
    tpu.wait_dma2 semaphore(%arg21 : memref<!tpu.dma_semaphore, #tpu.memory_space<semaphore_mem>>) src(%arg13 : memref<4x2048xf32, #tpu.memory_space<vmem>>) dst(%dma_wait3A_45 : memref<4x2048xf32, #tpu.memory_space<hbm>>)
    return
  }
}

</mosaic_0001>

<sc_bundles>
// kernel: kernel.3.cloned.1.call-start
scs
__scs_entry_jumppad:
0x0: {  	(pc) =	sbr.rel $0x88, $3  }
0x1: {  	(tag) =	ssettag $0x0;
	lr =	simm.s32 $0x1  }
0x2: {  	[smem:$0x3F9F] =	sst lr;
	_ =	strace $0xD0000000  }
0x3: {  	_ = 	snop  }
0x4: {  	_ = 	snop  }
0x5: {  	_ = 	snop  }
0x6: {  	_ = 	snop  }
0x7: {  	_ = 	snop  }
__scs_overlays_trampoline_lowered:
0x8: {  	[smem:$0x3FAE] =	sst s0  }
0x9: {  	[smem:$0x3FAF] =	sst s1  }
0xa: {  	[smem:$0x3FB0] =	sst s2  }
0xb: {  	[smem:$0x3FB1] =	sst s3  }
0xc: {  	[smem:$0x3FB2] =	sst s4  }
0xd: {  	[smem:$0x3FB3] =	sst s5  }
0xe: {  	[smem:$0x3FB4] =	sst s6  }
0xf: {  	[smem:$0x3FB5] =	sst s7  }
0x10: {  	[smem:$0x3FB6] =	sst s8  }
0x11: {  	[smem:$0x3FB7] =	sst s9;
	s0 =	simm.s32 @!p0 $0x0  }
0x12: {  	s1 =	sld [smem:$0x3F9D];
	s0 =	simm.s32 @p0 $0x1  }
0x13: {  	[smem:$0x3FB8] =	sst s0;
	s0 =	simm.s32 @!p1 $0x0  }
0x14: {  	s2 =	sld [smem:$0x3F9C];
	s0 =	simm.s32 @p1 $0x1  }
0x15: {  	[smem:$0x3FB9] =	sst s0;
	s0 =	simm.s32 @!p2 $0x0  }
0x16: {  	s3 =	sld [smem:$0x3FDB];
	s0 =	simm.s32 @p2 $0x1  }
0x17: {  	s4 =	simm.s32 $0x1BF5;
	[smem:$0x3FBB] =	sst s0  }
0x18: {  	s0 =	sld [smem:$0x3F9E];
	_ =	swait.ge [sflag:s4], $0x0  }
0x19: {  	s7 =	sld [smem:$0x3F9F]  }
0x1a: {  	s8 =	sadd.s32 $0xFFFFE003, lr  }
0x1b: {  	s9 =	sadd.s32 $0xFFFFFEF7, lr;
	s5 =	simm.s32 $0xFFFFFFFF;
	p2 =	slt.u32 s8, $0xFFFFF086  }
0x1c: {  	p1 =	slt.u32 s9, $0xF7A;
	s5 =	simm.s32 @!p2 $0x0  }
0x1d: {  	s5 =	simm.s32 @p1 $0x1;
	p0 =	seq.s32 s7, s2  }
0x1e: {  	s7 =	smul.u32 @!p0 $0xF7A, s2;
	p2 =	seq.s32 @!p0 s5, $0x0  }
0x1f: {  	s9 =	smul.u32 $0xF7A, s1;
	s8 =	simm.s32 @!p0 $0x1BF5;
	p2 =	por !p2, p0  }
0x20: {  	[sflag:s8] =	ssyncset.s32 @!p0 $0xFFFFF086;
	s6 =	sadd.s32 @!p0 s3, s7;
	s7 =	simm.s32 @!p0 $0x108  }
0x21: {  	s3 =	sadd.s32 s3, s9;
	s6 =	sadd.s32 @!p0 $0x88, s6;
	s7 =	simm.s32 @p2 $0x1082  }
0x22: {  	[simem:s7], [sflag:s8] =	dma.local @!p0 [hbm:s6], $0xF7A  }
0x23: {  	s9 =	sor.u32 $0xD0000000, s2;
	s6 =	simm.s32 $0x108;
	_ =	swait.ge @!p0 [sflag:s8], $0x0  }
0x24: {  	s3 =	sadd.s32 $0x88, s3;
	s6 =	simm.s32 @!p1 $0x1082;
	[sflag:s4] =	ssyncset.s32 $0xFFFFF086  }
0x25: {  	[simem:s6], [sflag:s4] =	dma.local [hbm:s3], $0xF7A  }
0x26: {  	[smem:$0x3F9F] =	sst s1;
	(tag) =	ssettag s2;
	_ =	strace s9  }
0x27: {  	s1 =	sld [smem:$0x3FAF]  }
0x28: {  	s2 =	sld [smem:$0x3FB0]  }
0x29: {  	s4 =	sld [smem:$0x3FB2]  }
0x2a: {  	p0 =	seq.s32 s5, $0x0;
	s5 =	sld [smem:$0x3FB3]  }
0x2b: {  	s6 =	sld [smem:$0x3FB4]  }
0x2c: {  	s7 =	sld [smem:$0x3FB5]  }
0x2d: {  	s3 =	simm.s32 $0x108;
	s8 =	sld [smem:$0x3FB6]  }
0x2e: {  	s3 =	simm.s32 @!p0 $0x1082;
	s9 =	sld [smem:$0x3FB7]  }
0x2f: {  	lr =	sadd.s32 s0, s3;
	s0 =	sld [smem:$0x3FAE]  }
0x30: {  	s3 =	sld [smem:$0x3FB1]  }
0x31: {  	[smem:$0x3FBA] =	sst s10  }
0x32: {  	s10 =	sld [smem:$0x3FB8];
	_ =	sdelay $0x3  }
0x33: {  	p0 =	seq.s32 s10, $0x1;
	s10 =	sld [smem:$0x3FBA];
	_ =	sdelay $0x3  }
0x34: {  	[smem:$0x3FBA] =	sst s10  }
0x35: {  	s10 =	sld [smem:$0x3FB9];
	_ =	sdelay $0x3  }
0x36: {  	p1 =	seq.s32 s10, $0x1;
	s10 =	sld [smem:$0x3FBA];
	_ =	sdelay $0x3  }
0x37: {  	[smem:$0x3FBA] =	sst s10  }
0x38: {  	s10 =	sld [smem:$0x3FBB]  }
0x39: {  	_ = 	snop;
	(pc) =	sbr.ind lr, $3  }
0x3a: {  	_ = 	snop  }
0x3b: {  	_ = 	snop  }
0x3c: {  	p2 =	seq.s32 s10, $0x1;
	s10 =	sld [smem:$0x3FBA]  }
0x3d: {  	_ =	shalt  }
0x3e: {  	_ =	shalt  }
0x3f: {  	_ =	shalt  }
0x40: {  	_ =	shalt  }
0x41: {  	_ =	shalt  }
0x42: {  	_ =	shalt  }
0x43: {  	_ =	shalt  }
0x44: {  	_ =	shalt  }
0x45: {  	_ =	shalt  }
0x46: {  	_ =	shalt  }
0x47: {  	_ =	shalt  }
0x48: {  	_ =	shalt  }
0x49: {  	_ =	shalt  }
0x4a: {  	_ =	shalt  }
0x4b: {  	_ =	shalt  }
0x4c: {  	_ =	shalt  }
0x4d: {  	_ =	shalt  }
0x4e: {  	_ =	shalt  }
0x4f: {  	_ =	shalt  }
0x50: {  	_ =	shalt  }
0x51: {  	_ =	shalt  }
0x52: {  	_ =	shalt  }
0x53: {  	_ =	shalt  }
0x54: {  	_ =	shalt  }
0x55: {  	_ =	shalt  }
0x56: {  	_ =	shalt  }
0x57: {  	_ =	shalt  }
0x58: {  	_ =	shalt  }
0x59: {  	_ =	shalt  }
0x5a: {  	_ =	shalt  }
0x5b: {  	_ =	shalt  }
0x5c: {  	_ =	shalt  }
0x5d: {  	_ =	shalt  }
0x5e: {  	_ =	shalt  }
0x5f: {  	_ =	shalt  }
0x60: {  	_ =	shalt  }
0x61: {  	_ =	shalt  }
0x62: {  	_ =	shalt  }
0x63: {  	_ =	shalt  }
0x64: {  	_ =	shalt  }
0x65: {  	_ =	shalt  }
0x66: {  	_ =	shalt  }
0x67: {  	_ =	shalt  }
0x68: {  	_ =	shalt  }
0x69: {  	_ =	shalt  }
0x6a: {  	_ =	shalt  }
0x6b: {  	_ =	shalt  }
0x6c: {  	_ =	shalt  }
0x6d: {  	_ =	shalt  }
0x6e: {  	_ =	shalt  }
0x6f: {  	_ =	shalt  }
0x70: {  	_ =	shalt  }
0x71: {  	_ =	shalt  }
0x72: {  	_ =	shalt  }
0x73: {  	_ =	shalt  }
0x74: {  	_ =	shalt  }
0x75: {  	_ =	shalt  }
0x76: {  	_ =	shalt  }
0x77: {  	_ =	shalt  }
0x78: {  	_ =	shalt  }
0x79: {  	_ =	shalt  }
0x7a: {  	_ =	shalt  }
0x7b: {  	_ =	shalt  }
0x7c: {  	_ =	shalt  }
0x7d: {  	_ =	shalt  }
0x7e: {  	_ =	shalt  }
0x7f: {  	_ =	shalt  }
0x80: {  	_ =	shalt  }
0x81: {  	_ =	shalt  }
0x82: {  	_ =	shalt  }
0x83: {  	_ =	shalt  }
0x84: {  	_ =	shalt  }
0x85: {  	_ =	shalt  }
0x86: {  	_ =	shalt  }
0x87: {  	_ =	shalt  }
.Lfunc_end0:
.L_simem_size_0:
called_computation_lowered:
.L_overlay_start_0:
0x88: {  	s2 =	sld [smem:$0x3FD9]  }
0x89: {  	s3 =	sld [smem:$0x3FFE];
	_ =	sdelay $0x1  }
0x8a: {  	s1 =	srdreg.scid  }
0x8b: {  	s0 =	sand.u32 $0x1, s1  }
0x8c: {  	s18 =	sshll.u32 s0, $0xA;
	s2 =	sadd.s32 s3, s2  }
0x8d: {  	s2 =	sadd.s32 s2, s18  }
0x8e: {  	[smem:$0x3FC6] =	sst s2  }
0x8f: {  	_ = 	snop  }
0x90: {  	s2 =	sld [smem:$0x3FC9]  }
0x91: {  	s19 =	sld [smem:$0x3FC8]  }
0x92: {  	s4 =	sld [smem:$0x3FD0];
	(tm) =	ssettm $0x1  }
0x93: {  	s5 =	sld [smem:$0x3FFB];
	_ =	sdelay $0x3  }
0x94: {  	_ =	strace s5  }
0x95: {  	s5 =	sld [smem:$0x3FFC];
	_ =	sdelay $0x3  }
0x96: {  	_ =	strace s5  }
0x97: {  	s5 =	sld [smem:$0x3FFD];
	_ =	sdelay $0x3  }
0x98: {  	_ =	strace s5  }
0x99: {  	_ =	strace $0x8FFFFFFF  }
0x9a: {  	s20 =	sld [smem:$0x3FDB];
	_ =	sdelay $0x1  }
0x9b: {  	s6 =	simm.s32 $_scs_section_size  }
0x9c: {  	s7 =	simm.s32 $_size__tile_overlayer_lowered;
	s8 =	simm.s32 $_tile_overlayer_lowered  }
0x9d: {  	s23 =	simm.s32 $0x1BFF;
	s22 =	sshll.u32 s8, $0x1;
	s5 =	sadd.s32 s6, s20  }
0x9e: {  	s9 =	simm.s32 $0x0;
	s21 =	sshll.u32 s7, $0x1;
	s7 =	sadd.s32 s22, s5  }
0x9f: {  	[timem:s9], [sflag:s23] =	dma.local [hbm:s7], s21  }
0xa0: {  	_ =	swait.ge [sflag:s23], s21  }
0xa1: {  	s6 =	ssub.s32 $0x0, s21;
	[sflag:s23] =	ssyncset.done $0x0  }
0xa2: {  	[sflag:s23] =	ssyncadd.s32 s6;
	_ =	sdelay $0x1  }
0xa3: {  	s24 =	simm.s32 $0x1B8B  }
0xa4: {  	_ =	swait.ge [sflag:s24], $0x1  }
0xa5: {  	[sflag:s24] =	ssyncset.done $0x0  }
0xa6: {  	s25 =	simm.s32 $0x1B8E;
	[sflag:s24] =	ssyncadd.s32 $0xFFFFFFFF  }
0xa7: {  	s26 =	simm.s32 $execute0_lowered;
	[smem:$0x3FD2] =	sst s25  }
0xa8: {  	s6 =	sshll.u32 s26, $0x1;
	_ =	strace $0x80000046;
	[dreg:$0x1] =	wrdreg $0xFFFFFFFF  }
0xa9: {  	s28 =	simm.s32 $_size_execute0_lowered;
	s5 =	sadd.s32 s5, s6;
	[dreg:$0x0] =	wrdreg $0x0  }
0xaa: {  	s6 =	sshll.u32 s28, $0x1;
	[dreg:$0x2] =	wrdreg s5  }
0xab: {  	[dreg:$0x3] =	wrdreg s6  }
0xac: {  	[dreg:$0x4] =	wrdreg $0xC0  }
0xad: {  	_ =	task [dreg:s9], $0x5FFFF  }
0xae: {  	[dreg:$0x1] =	wrdreg $0xFFFFFFFF  }
0xaf: {  	[dreg:$0x0] =	wrdreg $0x60  }
0xb0: {  	[dreg:$0x2] =	wrdreg s2  }
0xb1: {  	[dreg:$0x3] =	wrdreg s19  }
0xb2: {  	[dreg:$0x4] =	wrdreg s4  }
0xb3: {  	[dreg:$0x5] =	wrdreg $0x9  }
0xb4: {  	_ =	task.clear_ibuf [dreg:s9], $0x6FFFF;
	_ =	strace $0x90000046  }
0xb5: {  	s29 =	simm.s32 $0x9;
	_ =	strace $0x80000048  }
0xb6: {  	_ =	swait.ge [sflag:s29], $0x1  }
0xb7: {  	[sflag:s29] =	ssyncadd.s32 $0xFFFFFFFF  }
0xb8: {  	_ =	strace $0x90000048  }
0xb9: {  	_ =	sfence  }
0xba: {  	s30 =	sld [smem:$0x0];
	_ =	sdelay $0x2  }
0xbb: {  	s31 =	sshll.u32 s1, $0xD;
	s1 =	sshrl.u32 s1, $0x2  }
0xbc: {  	s3 =	sand.u32 $0x4000, s31;
	s1 =	sadd.s32 s1, s30  }
0xbd: {  	s0 =	sor.u32 s3, s0;
	s1 =	sshll.u32 s1, $0x11  }
0xbe: {  	s0 =	sor.u32 s1, s0  }
0xbf: {  	s0 =	sadd.s32 $0x8F2B, s0  }
0xc0: {  	[sflag:s0] =	ssyncadd.remote.s32 $0x1  }
0xc1: {  	_ =	sfence.sel $0xFFFF  }
0xc2: {  	[dreg:$0x0] =	wrdreg $0xFFFFFFFF;
	(pc) =	sbr.abs _section_cstart, $3  }
0xc3: {  	[dreg:$0x1] =	wrdreg $0xFFFFFFFF  }
0xc4: {  	_ =	task.clear_ibuf [dreg:s9], $0x2FFFF;
	_ =	strace $0x9FFFFFFF  }
0xc5: {  	(tm) =	ssettm $0x7FFFFFFF  }
tec
execute0_lowered:
.L_overlay_start_1:
0x0: {  	(tag) =	ssettag $0x1  }
0x1: {  	s0 =	rddreg [dreg:$0x0];
	s1 =	srdreg.scid  }
0x2: {  	s4 =	rddreg [dreg:$0x2];
	s2 =	stileid.u32;
	s6 =	simm.s32 $0x0  }
0x3: {  	s19 =	simm.s32 $0x200;
	s28 =	simm.s32 $0x2;
	s29 =	simm.s32 $0x6  }
0x4: {  	s30 =	simm.s32 $0xA800;
	s31 =	simm.s32 $0x3;
	s7 =	simm.s32 $0xE800  }
0x5: {  	s1 =	sand.u32 $0x1, s1;
	s2 =	sshll.u32 s2, $0x12;
	[smem:$0x7FF] =	sst s6  }
0x6: {  	s11 =	sadd.s32 $0x40, s4;
	s13 =	sadd.s32 $0x800, s4;
	s12 =	smov.u32 s4  }
0x7: {  	s15 =	sadd.s32 $0x840, s4;
	s4 =	simm.s32 $0x8;
	s3 =	sshll.u32 s1, $0x11  }
0x8: {  	s6 =	simm.s32 $0x0;
	s1 =	ssub.s32 $0x2, s1;
	s5 =	sor.u32 s3, s2  }
0x9: {  	_ =	strace $0x80000047;
	s20 =	sshrl.u32 s1, $0x1;
	s3 =	sadd.s32 s0, s5  }
0xa: {  	s2 =	simm.s32 $0x4;
	s22 =	sadd.s32 $0x40, s3;
	[dreg:$0x4] =	wrdreg s3  }
0xb: {  	s21 =	ssub.s32 s1, s20;
	s23 =	sadd.s32 $0x800, s3;
	[dreg:$0x5] =	wrdreg s22  }
0xc: {  	s20 =	simm.s32 $0x400;
	s24 =	sadd.s32 $0x840, s3;
	[dreg:$0x6] =	wrdreg s23  }
0xd: {  	s1 =	simm.s32 $0xC800;
	s25 =	sadd.s32 $0x1000, s3;
	[dreg:$0x7] =	wrdreg s24  }
.Ltmp0:
0xe: {  	s26 =	sadd.s32 $0x1040, s3;
	[dreg:$0x8] =	wrdreg s25;
	(pc) =	sbr.rel .LBB2_1-.Ltmp0, $4  }
0xf: {  	s14 =	sadd.s32 $0x1800, s3;
	s0 =	smax.u32 s21, $0x1;
	[dreg:$0x9] =	wrdreg s26  }
0x10: {  	s16 =	sadd.s32 $0x1840, s3;
	s21 =	simm.s32 $0x800;
	[dreg:$0xa] =	wrdreg s0  }
0x11: {  	s22 =	simm.s32 $0x2800;
	s23 =	simm.s32 $0x4800;
	s24 =	simm.s32 $0x6800  }
0x12: {  	s25 =	simm.s32 $0x1;
	s26 =	simm.s32 $0x8800;
	s0 =	simm.s32 $0x7  }
.LBB2_24:
0x13: {  	s3 =	simm.s32 $0x5  }
0x14: {  	_ =	swait.ge [sflag:s3], $0x2000  }
0x15: {  	[sflag:s3] =	ssyncset.done $0x0  }
0x16: {  	[sflag:s3] =	ssyncadd.s32 $0xFFFFE000  }
0x17: {  	_ =	swait.ge [sflag:s29], $0x2000  }
0x18: {  	[sflag:s29] =	ssyncset.done $0x0  }
0x19: {  	[sflag:s29] =	ssyncadd.s32 $0xFFFFE000  }
0x1a: {  	_ =	swait.ge [sflag:s0], $0x2000  }
0x1b: {  	[sflag:s0] =	ssyncset.done $0x0  }
0x1c: {  	[sflag:s0] =	ssyncadd.s32 $0xFFFFE000  }
0x1d: {  	_ =	swait.ge [sflag:s4], $0x2000  }
0x1e: {  	s6 =	rddreg [dreg:$0xb]  }
0x1f: {  	s18 =	rddreg [dreg:$0xa];
	s6 =	sadd.s32 $0x1, s6  }
0x20: {  	p0 =	sne.s32 s6, s18  }
.Ltmp1:
0x21: {  	_ = 	snop;
	(pc) =	sbr.rel @!p0 .LBB2_25-.Ltmp1, $3  }
0x22: {  	_ =	sdelay $0x1  }
0x23: {  	[sflag:s4] =	ssyncset.done $0x0  }
0x24: {  	[sflag:s4] =	ssyncadd.s32 $0xFFFFE000  }
.LBB2_1:
0x25: {  	[dreg:$0xb] =	wrdreg s6  }
0x26: {  	s3 =	rddreg [dreg:$0x1];
	s18 =	simm.s32 $0x0;
	s8 =	simm.s32 $0x9  }
0x27: {  	[tilespmem:s18], [sflag:$0x9] =	stream.linear.gather [hbm4b:s3+s18], $0x800, $0x38;
	[tilespmem:$0x10800] =	vst v63  }
0x28: {  	_ =	swait.ge [sflag:s8], $0x800  }
0x29: {  	[sflag:s8] =	ssyncset.done $0x0  }
0x2a: {  	s9 =	rddreg [dreg:$0x4];
	[sflag:s8] =	ssyncadd.s32 $0xFFFFF800  }
0x2b: {  	[tilespmem:s21], [sflag:$0x1] =	stream.strided.gather [hbm4b:s9+s19], $0x2000, s20, s19, $0x38;
	[tilespmem:$0x10800] =	vst v63  }
0x2c: {  	s10 =	rddreg [dreg:$0x5]  }
0x2d: {  	[tilespmem:s22], [sflag:$0x2] =	stream.strided.gather [hbm4b:s10+s19], $0x2000, s20, s19, $0x38;
	[tilespmem:$0x10800] =	vst v63  }
0x2e: {  	s17 =	rddreg [dreg:$0x6]  }
0x2f: {  	[tilespmem:s23], [sflag:$0x3] =	stream.strided.gather [hbm4b:s17+s19], $0x2000, s20, s19, $0x38;
	[tilespmem:$0x10800] =	vst v63  }
0x30: {  	s18 =	rddreg [dreg:$0x7];
	s17 =	simm.s32 $0x0  }
0x31: {  	[tilespmem:s24], [sflag:$0x4] =	stream.strided.gather [hbm4b:s18+s19], $0x2000, s20, s19, $0x38;
	[tilespmem:$0x10800] =	vst v63  }
.LBB2_2:
0x32: {  	_ =	swait.ge [sflag:s25], $0x2000  }
0x33: {  	p0 =	seq.s32 s17, $0x0;
	[sflag:s25] =	ssyncset.done $0x0  }
0x34: {  	s3 =	simm.s32 @!p0 $0x5;
	[sflag:s25] =	ssyncadd.s32 $0xFFFFE000  }
0x35: {  	_ =	swait.ge @!p0 [sflag:s3], $0x2000  }
0x36: {  	[sflag:s3] =	ssyncset.done @!p0 $0x0  }
0x37: {  	s18 =	simm.s32 $0x40;
	[sflag:s3] =	ssyncadd.s32 @!p0 $0xFFFFE000  }
0x38: {  	v0 =	vld [tilespmem:s18+$0xFFFFFFC0]  }
0x39: {  	v1 =	vld [tilespmem:s18+$0x10]  }
0x3a: {  	v3 =	vld [tilespmem:s18+$0xFFFFFFE0]  }
0x3b: {  	v2 =	vld [tilespmem:s18+$0x0];
	_ =	sdelay $0x1  }
0x3c: {  	v6 =	vld [tilespmem:s18+$0x20]  }
0x3d: {  	v7 =	vld [tilespmem:s18+$0xFFFFFFF0];
	v4 =	vshll.u32 v0, $0x2;
	v0 =	vand.u32 $0x7F, v0;
	v5 =	vshll.u32 v1, $0x2  }
0x3e: {  	v1 =	vand.u32 $0x7F, v1;
	v9 =	vshll.u32 v3, $0x2;
	v4 =	vand.u32 $0xFFFFFE00, v4  }
0x3f: {  	v8 =	vld [tilespmem:s18+$0xFFFFFFD0];
	v3 =	vand.u32 $0x7F, v3;
	v4 =	vor.u32 v0, v4;
	v0 =	vshll.u32 v2, $0x2  }
0x40: {  	v5 =	vand.u32 $0xFFFFFE00, v5;
	v2 =	vand.u32 $0x7F, v2;
	v0 =	vand.u32 $0xFFFFFE00, v0  }
0x41: {  	v5 =	vor.u32 v1, v5;
	v0 =	vor.u32 v2, v0;
	v2 =	vand.u32 $0xFFFFFE00, v9;
	v9 =	vld [tilespmem:s18+$0x30]  }
0x42: {  	v11 =	vand.u32 $0x7F, v7;
	v2 =	vor.u32 v3, v2;
	v3 =	vshll.u32 v6, $0x2  }
0x43: {  	v1 =	vand.u32 $0x7F, v6;
	v12 =	vor.u32 $0x80, v4;
	v3 =	vand.u32 $0xFFFFFE00, v3  }
0x44: {  	v6 =	vshll.u32 v7, $0x2;
	v10 =	vld.idx.msk [tilespmem:v4+s21+$0x0], $0xffff;
	v1 =	vor.u32 v1, v3;
	v3 =	vshll.u32 v8, $0x2  }
0x45: {  	v6 =	vand.u32 $0xFFFFFE00, v6;
	v8 =	vand.u32 $0x7F, v8;
	v3 =	vand.u32 $0xFFFFFE00, v3  }
0x46: {  	v6 =	vor.u32 v11, v6;
	v17 =	vld.idx.msk [tilespmem:v5+s21+$0x0], $0xffff;
	v7 =	vor.u32 v8, v3;
	v3 =	vshll.u32 v9, $0x2  }
0x47: {  	v13 =	vld.idx.msk [tilespmem:v0+s21+$0x0], $0xffff;
	v8 =	vand.u32 $0x7F, v9;
	v3 =	vand.u32 $0xFFFFFE00, v3  }
0x48: {  	s8 =	simm.s32 $0x8900;
	v11 =	vld.idx.msk [tilespmem:v2+s21+$0x0], $0xffff;
	v3 =	vor.u32 v8, v3  }
0x49: {  	v20 =	vor.u32 $0x80, v0;
	[tilespmem:s8+$0xFFFFFF00] =	vst v10;
	v9 =	vld.idx.msk [tilespmem:v1+s21+$0x0], $0xffff  }
0x4a: {  	v18 =	vld.idx.msk [tilespmem:v12+s21+$0x0], $0xffff;
	v12 =	vor.u32 $0x80, v5  }
0x4b: {  	s6 =	sshll.u32 s17, $0xC;
	v15 =	vor.u32 $0x80, v2;
	v16 =	vld.idx.msk [tilespmem:v6+s21+$0x0], $0xffff  }
0x4c: {  	s9 =	simm.s32 $0xC0;
	s3 =	simm.s32 $0x8900;
	s18 =	simm.s32 $0x0;
	v14 =	vor.u32 $0x80, v7;
	v8 =	vor.u32 $0x80, v3;
	v10 =	vor.u32 $0x80, v1;
	v19 =	vld.idx.msk [tilespmem:v7+s21+$0x0], $0xffff  }
.LBB2_3:
0x4d: {  	s18 =	sadd.s32 $0x8, s18;
	[tilespmem:s8+$0xFFFFFF40] =	vst v13;
	v13 =	vld.idx.msk [tilespmem:v3+s21+$0x0], $0xffff;
	s3 =	sadd.s32 $0x200, s3  }
0x4e: {  	p1 =	slt.u32 s18, $0x78;
	v20 =	vld.idx.msk [tilespmem:v20+s21+$0x0], $0xffff;
	[tilespmem:s8+$0xFFFFFF50] =	vst v17  }
0x4f: {  	v17 =	vor.u32 $0x100, v4;
	v12 =	vld.idx.msk [tilespmem:v12+s21+$0x0], $0xffff  }
0x50: {  	v21 =	vld [tilespmem:s9+$0x10];
	[tilespmem:s8+$0xFFFFFF80] =	vst v18  }
0x51: {  	v18 =	vld [tilespmem:s9+$0xFFFFFFE0];
	[tilespmem:s8+$0xFFFFFF10] =	vst v19;
	v19 =	vor.u32 $0x80, v6  }
0x52: {  	v14 =	vld.idx.msk [tilespmem:v14+s21+$0x0], $0xffff;
	[tilespmem:s8+$0xFFFFFF20] =	vst v11  }
0x53: {  	v11 =	vld.idx.msk [tilespmem:v15+s21+$0x0], $0xffff;
	[tilespmem:s8+$0xFFFFFF70] =	vst v13  }
0x54: {  	v13 =	vld.idx.msk [tilespmem:v17+s21+$0x0], $0xffff;
	[tilespmem:s8+$0xFFFFFFC0] =	vst v20  }
0x55: {  	v15 =	vld [tilespmem:s9+$0xFFFFFFF0];
	[tilespmem:s8+$0xFFFFFF30] =	vst v16  }
0x56: {  	v16 =	vld.idx.msk [tilespmem:v19+s21+$0x0], $0xffff;
	[tilespmem:s8+$0xFFFFFFD0] =	vst v12  }
0x57: {  	v12 =	vld [tilespmem:s9+$0xFFFFFFC0];
	[tilespmem:s8+$0xFFFFFF60] =	vst v9  }
0x58: {  	[tilespmem:s8+$0xFFFFFF90] =	vst v14;
	v8 =	vld.idx.msk [tilespmem:v8+s21+$0x0], $0xffff  }
0x59: {  	v9 =	vld [tilespmem:s9+$0x20];
	[tilespmem:s8+$0xFFFFFFA0] =	vst v11;
	v11 =	vor.u32 $0x100, v5  }
0x5a: {  	v14 =	vld [tilespmem:s9+$0x30];
	[tilespmem:s8+$0x0] =	vst v13;
	v13 =	vor.u32 $0x100, v7  }
0x5b: {  	v19 =	vor.u32 $0x100, v6;
	v17 =	vld [tilespmem:s9+$0xFFFFFFD0]  }
0x5c: {  	v20 =	vor.u32 $0x180, v4;
	[tilespmem:s8+$0xFFFFFFB0] =	vst v16;
	v10 =	vld.idx.msk [tilespmem:v10+s21+$0x0], $0xffff  }
0x5d: {  	v22 =	vor.u32 $0x100, v2;
	v23 =	vor.u32 $0x180, v5;
	v5 =	vor.u32 $0x100, v1;
	v16 =	vld [tilespmem:s9+$0x0]  }
0x5e: {  	v24 =	vor.u32 $0x100, v0;
	v4 =	vshll.u32 v12, $0x2;
	v11 =	vld.idx.msk [tilespmem:v11+s21+$0x0], $0xffff;
	[tilespmem:s8+$0xFFFFFFF0] =	vst v8;
	v8 =	vor.u32 $0x100, v3  }
0x5f: {  	v4 =	vand.u32 $0xFFFFFE00, v4;
	v25 =	vand.u32 $0x7F, v14;
	v14 =	vshll.u32 v14, $0x2;
	v13 =	vld.idx.msk [tilespmem:v13+s21+$0x0], $0xffff  }
0x60: {  	v6 =	vor.u32 $0x180, v6;
	v12 =	vand.u32 $0x7F, v12;
	v14 =	vand.u32 $0xFFFFFE00, v14;
	v19 =	vld.idx.msk [tilespmem:v19+s21+$0x0], $0xffff  }
0x61: {  	v7 =	vor.u32 $0x180, v7;
	v4 =	vor.u32 v12, v4;
	v12 =	vshll.u32 v21, $0x2;
	v20 =	vld.idx.msk [tilespmem:v20+s21+$0x0], $0xffff  }
0x62: {  	v26 =	vshll.u32 v15, $0x2;
	v14 =	vor.u32 v25, v14;
	v27 =	vshll.u32 v16, $0x2;
	v22 =	vld.idx.msk [tilespmem:v22+s21+$0x0], $0xffff;
	[tilespmem:s8+$0xFFFFFFE0] =	vst v10  }
0x63: {  	v21 =	vand.u32 $0x7F, v21;
	v10 =	vand.u32 $0xFFFFFE00, v26;
	v16 =	vand.u32 $0x7F, v16;
	v25 =	vld.idx.msk [tilespmem:v5+s21+$0x0], $0xffff  }
0x64: {  	v12 =	vand.u32 $0xFFFFFE00, v12;
	v26 =	vor.u32 $0x180, v2;
	v5 =	vand.u32 $0xFFFFFE00, v27;
	[tilespmem:s8+$0x50] =	vst v11;
	v8 =	vld.idx.msk [tilespmem:v8+s21+$0x0], $0xffff  }
0x65: {  	v2 =	vshll.u32 v18, $0x2;
	v11 =	vor.u32 v16, v5;
	v5 =	vor.u32 v21, v12;
	[tilespmem:s8+$0x10] =	vst v13;
	v12 =	vld.idx.msk [tilespmem:v24+s21+$0x0], $0xffff  }
0x66: {  	v2 =	vand.u32 $0xFFFFFE00, v2;
	v13 =	vor.u32 $0x180, v3;
	v3 =	vmov v14;
	v7 =	vld.idx.msk [tilespmem:v7+s21+$0x0], $0xffff;
	[tilespmem:s8+$0x30] =	vst v19  }
0x67: {  	v14 =	vand.u32 $0x7F, v18;
	v18 =	vor.u32 $0x180, v0;
	v0 =	vmovc v11;
	v19 =	vor.u32 $0x180, v1;
	[tilespmem:s8+$0x80] =	vst v20;
	v16 =	vld.idx.msk [tilespmem:v6+s21+$0x0], $0xffff  }
0x68: {  	v21 =	vor.u32 $0x80, v4;
	v2 =	vor.u32 v14, v2;
	v1 =	vand.u32 $0x7F, v15;
	[tilespmem:s8+$0x20] =	vst v22;
	v11 =	vld.idx.msk [tilespmem:v23+s21+$0x0], $0xffff  }
0x69: {  	v6 =	vor.u32 v1, v10;
	v1 =	vshll.u32 v9, $0x2;
	v10 =	vld.idx.msk [tilespmem:v26+s21+$0x0], $0xffff;
	[tilespmem:s8+$0x60] =	vst v25  }
0x6a: {  	v9 =	vand.u32 $0x7F, v9;
	v1 =	vand.u32 $0xFFFFFE00, v1;
	v15 =	vld.idx.msk [tilespmem:v4+s21+$0x0], $0xffff;
	[tilespmem:s8+$0x70] =	vst v8  }
0x6b: {  	v1 =	vor.u32 v9, v1;
	[tilespmem:s8+$0x40] =	vst v12;
	v22 =	vld.idx.msk [tilespmem:v13+s21+$0x0], $0xffff  }
0x6c: {  	v8 =	vshll.u32 v17, $0x2;
	v12 =	vor.u32 $0x80, v5;
	v13 =	vld.idx.msk [tilespmem:v0+s21+$0x0], $0xffff;
	[tilespmem:s8+$0x90] =	vst v7  }
0x6d: {  	v9 =	vand.u32 $0xFFFFFE00, v8;
	v8 =	vor.u32 $0x80, v3;
	v7 =	vand.u32 $0x7F, v17;
	[tilespmem:s8+$0xB0] =	vst v16;
	v16 =	vld.idx.msk [tilespmem:v18+s21+$0x0], $0xffff  }
0x6e: {  	v7 =	vor.u32 v7, v9;
	[tilespmem:s8+$0xD0] =	vst v11;
	v23 =	vld.idx.msk [tilespmem:v19+s21+$0x0], $0xffff  }
0x6f: {  	v14 =	vor.u32 $0x80, v7;
	v11 =	vld.idx.msk [tilespmem:v2+s21+$0x0], $0xffff  }
.Ltmp2:
0x70: {  	[tilespmem:s3+$0xFFFFFF00] =	vst v15;
	v15 =	vor.u32 $0x80, v2;
	v17 =	vld.idx.msk [tilespmem:v5+s21+$0x0], $0xffff;
	(pc) =	sbr.rel @p1 .LBB2_3-.Ltmp2, $4  }
0x71: {  	v20 =	vor.u32 $0x80, v0;
	v9 =	vld.idx.msk [tilespmem:v1+s21+$0x0], $0xffff;
	[tilespmem:s8+$0xF0] =	vst v22  }
0x72: {  	v18 =	vld.idx.msk [tilespmem:v21+s21+$0x0], $0xffff;
	[tilespmem:s8+$0xA0] =	vst v10  }
0x73: {  	v19 =	vld.idx.msk [tilespmem:v7+s21+$0x0], $0xffff;
	[tilespmem:s8+$0xC0] =	vst v16  }
0x74: {  	s9 =	sadd.s32 $0x80, s9;
	v10 =	vor.u32 $0x80, v1;
	v16 =	vld.idx.msk [tilespmem:v6+s21+$0x0], $0xffff;
	[tilespmem:s8+$0xE0] =	vst v23;
	s8 =	smov.u32 s3  }
0x75: {  	_ =	sdelay $0x1  }
0x76: {  	[tilespmem:s8+$0xFFFFFF40] =	vst v13  }
0x77: {  	[tilespmem:s8+$0xFFFFFF50] =	vst v17  }
0x78: {  	v34 =	vld.idx.msk [tilespmem:v3+s21+$0x0], $0xffff;
	[tilespmem:s8+$0xFFFFFF20] =	vst v11  }
0x79: {  	v36 =	vor.u32 $0x80, v6;
	v35 =	vld.idx.msk [tilespmem:v20+s21+$0x0], $0xffff;
	[tilespmem:s8+$0xFFFFFF60] =	vst v9  }
0x7a: {  	v37 =	vor.u32 $0x100, v4;
	v12 =	vld.idx.msk [tilespmem:v12+s21+$0x0], $0xffff;
	[tilespmem:s8+$0xFFFFFF80] =	vst v18  }
0x7b: {  	v39 =	vld.idx.msk [tilespmem:v15+s21+$0x0], $0xffff;
	[tilespmem:s8+$0xFFFFFF10] =	vst v19  }
0x7c: {  	v40 =	vor.u32 $0x100, v5;
	v9 =	vld.idx.msk [tilespmem:v10+s21+$0x0], $0xffff;
	[tilespmem:s8+$0xFFFFFF30] =	vst v16  }
0x7d: {  	v46 =	vor.u32 $0x100, v2;
	v38 =	vld.idx.msk [tilespmem:v14+s21+$0x0], $0xffff;
	[tilespmem:s8+$0xFFFFFF70] =	vst v34  }
0x7e: {  	v51 =	vor.u32 $0x100, v0;
	v41 =	vld.idx.msk [tilespmem:v36+s21+$0x0], $0xffff;
	[tilespmem:s8+$0xFFFFFFC0] =	vst v35  }
0x7f: {  	v49 =	vor.u32 $0x100, v1;
	v43 =	vld.idx.msk [tilespmem:v37+s21+$0x0], $0xffff;
	[tilespmem:s8+$0xFFFFFFD0] =	vst v12  }
0x80: {  	v42 =	vor.u32 $0x100, v7;
	v8 =	vld.idx.msk [tilespmem:v8+s21+$0x0], $0xffff;
	[tilespmem:s8+$0xFFFFFFA0] =	vst v39  }
0x81: {  	v44 =	vor.u32 $0x100, v6;
	v47 =	vld.idx.msk [tilespmem:v40+s21+$0x0], $0xffff;
	[tilespmem:s8+$0xFFFFFFE0] =	vst v9  }
0x82: {  	v45 =	vor.u32 $0x180, v4;
	v54 =	vld.idx.msk [tilespmem:v46+s21+$0x0], $0xffff;
	[tilespmem:s8+$0xFFFFFF90] =	vst v38  }
0x83: {  	v48 =	vor.u32 $0x100, v3;
	v60 =	vld.idx.msk [tilespmem:v51+s21+$0x0], $0xffff;
	[tilespmem:s8+$0xFFFFFFB0] =	vst v41  }
0x84: {  	v55 =	vor.u32 $0x180, v5;
	v57 =	vld.idx.msk [tilespmem:v49+s21+$0x0], $0xffff;
	[tilespmem:s8+$0x0] =	vst v43  }
0x85: {  	v59 =	vor.u32 $0x180, v2;
	v50 =	vld.idx.msk [tilespmem:v42+s21+$0x0], $0xffff;
	[tilespmem:s8+$0xFFFFFFF0] =	vst v8  }
0x86: {  	v61 =	vor.u32 $0x180, v0;
	v12 =	vld.idx.msk [tilespmem:v44+s21+$0x0], $0xffff;
	[tilespmem:s8+$0x50] =	vst v47  }
0x87: {  	v63 =	vor.u32 $0x180, v1;
	v4 =	vld.idx.msk [tilespmem:v45+s21+$0x0], $0xffff;
	[tilespmem:s8+$0x20] =	vst v54  }
0x88: {  	v52 =	vor.u32 $0x180, v7;
	v56 =	vld.idx.msk [tilespmem:v48+s21+$0x0], $0xffff;
	[tilespmem:s8+$0x40] =	vst v60  }
0x89: {  	v53 =	vor.u32 $0x180, v6;
	v5 =	vld.idx.msk [tilespmem:v55+s21+$0x0], $0xffff;
	[tilespmem:s8+$0x60] =	vst v57  }
0x8a: {  	v58 =	vor.u32 $0x180, v3;
	v2 =	vld.idx.msk [tilespmem:v59+s21+$0x0], $0xffff;
	[tilespmem:s8+$0x10] =	vst v50  }
0x8b: {  	v0 =	vld.idx.msk [tilespmem:v61+s21+$0x0], $0xffff;
	[tilespmem:s8+$0x30] =	vst v12  }
0x8c: {  	v1 =	vld.idx.msk [tilespmem:v63+s21+$0x0], $0xffff;
	[tilespmem:s8+$0x80] =	vst v4  }
0x8d: {  	v7 =	vld.idx.msk [tilespmem:v52+s21+$0x0], $0xffff;
	[tilespmem:s8+$0x70] =	vst v56  }
0x8e: {  	v62 =	vld.idx.msk [tilespmem:v53+s21+$0x0], $0xffff;
	[tilespmem:s8+$0xD0] =	vst v5  }
0x8f: {  	v3 =	vld.idx.msk [tilespmem:v58+s21+$0x0], $0xffff;
	[tilespmem:s8+$0xA0] =	vst v2  }
0x90: {  	p1 =	sne.s32 s17, $0x1F;
	[tilespmem:s8+$0xC0] =	vst v0  }
.Ltmp3:
0x91: {  	[tilespmem:s8+$0xE0] =	vst v1;
	(pc) =	sbr.rel @p1 .LBB2_6-.Ltmp3, $4  }
0x92: {  	[tilespmem:s8+$0x90] =	vst v7  }
0x93: {  	s18 =	sor.u32 s5, s6;
	[tilespmem:s8+$0xB0] =	vst v62  }
0x94: {  	s3 =	sadd.s32 s12, s18;
	[tilespmem:s8+$0xF0] =	vst v3  }
0x95: {  	[hbm4b:s3+s19] =	stream.strided.scatter [tilespmem:s26], [sflag:$0x5], $0x2000, s20, s19, $0x38;
	[tilespmem:$0x10800] =	vst v63  }
.Ltmp4:
0x96: {  	(pc) =	sbr.rel .LBB2_7-.Ltmp4, $4  }
0x97: {  	_ = 	snop  }
0x98: {  	_ =	swait.ge [sflag:s28], $0x2000  }
0x99: {  	[sflag:s28] =	ssyncset.done $0x0  }
0x9a: {  	[sflag:s28] =	ssyncadd.s32 $0xFFFFE000  }
.LBB2_6:
0x9b: {  	s3 =	rddreg [dreg:$0x8]  }
.Ltmp5:
0x9c: {  	s3 =	sadd.s32 s6, s3;
	(pc) =	sbr.rel @p0 .LBB2_8-.Ltmp5, $4  }
0x9d: {  	[tilespmem:s21], [sflag:$0x1] =	stream.strided.gather [hbm4b:s3+s19], $0x2000, s20, s19, $0x38;
	[tilespmem:$0x10800] =	vst v63  }
0x9e: {  	_ =	swait.ge [sflag:s28], $0x2000  }
0x9f: {  	[sflag:s28] =	ssyncset.done $0x0  }
0xa0: {  	[sflag:s28] =	ssyncadd.s32 $0xFFFFE000  }
.LBB2_7:
0xa1: {  	_ =	swait.ge [sflag:s29], $0x2000  }
0xa2: {  	[sflag:s29] =	ssyncset.done $0x0  }
0xa3: {  	[sflag:s29] =	ssyncadd.s32 $0xFFFFE000  }
.LBB2_8:
0xa4: {  	s3 =	simm.s32 $0x40  }
0xa5: {  	v0 =	vld [tilespmem:s3+$0xFFFFFFC0]  }
0xa6: {  	v1 =	vld [tilespmem:s3+$0x10]  }
0xa7: {  	v3 =	vld [tilespmem:s3+$0xFFFFFFE0]  }
0xa8: {  	v2 =	vld [tilespmem:s3+$0x0];
	_ =	sdelay $0x1  }
0xa9: {  	v6 =	vld [tilespmem:s3+$0x20]  }
0xaa: {  	v7 =	vld [tilespmem:s3+$0xFFFFFFF0];
	v4 =	vshll.u32 v0, $0x2;
	v0 =	vand.u32 $0x7F, v0;
	v5 =	vshll.u32 v1, $0x2  }
0xab: {  	v1 =	vand.u32 $0x7F, v1;
	v9 =	vshll.u32 v3, $0x2;
	v4 =	vand.u32 $0xFFFFFE00, v4  }
0xac: {  	v8 =	vld [tilespmem:s3+$0xFFFFFFD0];
	v3 =	vand.u32 $0x7F, v3;
	v4 =	vor.u32 v0, v4;
	v0 =	vshll.u32 v2, $0x2  }
0xad: {  	v5 =	vand.u32 $0xFFFFFE00, v5;
	v2 =	vand.u32 $0x7F, v2;
	v0 =	vand.u32 $0xFFFFFE00, v0  }
0xae: {  	v5 =	vor.u32 v1, v5;
	v0 =	vor.u32 v2, v0;
	v2 =	vand.u32 $0xFFFFFE00, v9;
	v9 =	vld [tilespmem:s3+$0x30]  }
0xaf: {  	v11 =	vand.u32 $0x7F, v7;
	v2 =	vor.u32 v3, v2;
	v3 =	vshll.u32 v6, $0x2  }
0xb0: {  	v1 =	vand.u32 $0x7F, v6;
	v12 =	vor.u32 $0x80, v4;
	v3 =	vand.u32 $0xFFFFFE00, v3  }
0xb1: {  	v6 =	vshll.u32 v7, $0x2;
	v10 =	vld.idx.msk [tilespmem:v4+s22+$0x0], $0xffff;
	v1 =	vor.u32 v1, v3;
	v3 =	vshll.u32 v8, $0x2  }
0xb2: {  	v6 =	vand.u32 $0xFFFFFE00, v6;
	v8 =	vand.u32 $0x7F, v8;
	v3 =	vand.u32 $0xFFFFFE00, v3  }
0xb3: {  	v6 =	vor.u32 v11, v6;
	v17 =	vld.idx.msk [tilespmem:v5+s22+$0x0], $0xffff;
	v7 =	vor.u32 v8, v3;
	v3 =	vshll.u32 v9, $0x2  }
0xb4: {  	v13 =	vld.idx.msk [tilespmem:v0+s22+$0x0], $0xffff;
	v8 =	vand.u32 $0x7F, v9;
	v3 =	vand.u32 $0xFFFFFE00, v3  }
0xb5: {  	s8 =	simm.s32 $0xA900;
	v11 =	vld.idx.msk [tilespmem:v2+s22+$0x0], $0xffff;
	v3 =	vor.u32 v8, v3  }
0xb6: {  	v20 =	vor.u32 $0x80, v0;
	[tilespmem:s8+$0xFFFFFF00] =	vst v10;
	v10 =	vld.idx.msk [tilespmem:v1+s22+$0x0], $0xffff  }
0xb7: {  	v18 =	vld.idx.msk [tilespmem:v12+s22+$0x0], $0xffff;
	v12 =	vor.u32 $0x80, v5  }
0xb8: {  	v15 =	vor.u32 $0x80, v2;
	v16 =	vld.idx.msk [tilespmem:v6+s22+$0x0], $0xffff  }
0xb9: {  	s9 =	simm.s32 $0x0;
	s10 =	simm.s32 $0xA900;
	s3 =	simm.s32 $0xC0;
	v9 =	vor.u32 $0x80, v1;
	v14 =	vor.u32 $0x80, v7;
	v8 =	vor.u32 $0x80, v3;
	v19 =	vld.idx.msk [tilespmem:v7+s22+$0x0], $0xffff  }
.LBB2_9:
0xba: {  	s9 =	sadd.s32 $0x8, s9;
	[tilespmem:s8+$0xFFFFFF40] =	vst v13;
	v13 =	vld.idx.msk [tilespmem:v3+s22+$0x0], $0xffff;
	s10 =	sadd.s32 $0x200, s10  }
0xbb: {  	p2 =	slt.u32 s9, $0x78;
	v20 =	vld.idx.msk [tilespmem:v20+s22+$0x0], $0xffff;
	[tilespmem:s8+$0xFFFFFF50] =	vst v17  }
0xbc: {  	v17 =	vor.u32 $0x100, v4;
	v12 =	vld.idx.msk [tilespmem:v12+s22+$0x0], $0xffff  }
0xbd: {  	v21 =	vld [tilespmem:s3+$0x10];
	[tilespmem:s8+$0xFFFFFF80] =	vst v18  }
0xbe: {  	v18 =	vld [tilespmem:s3+$0xFFFFFFE0];
	[tilespmem:s8+$0xFFFFFF10] =	vst v19;
	v19 =	vor.u32 $0x80, v6  }
0xbf: {  	v14 =	vld.idx.msk [tilespmem:v14+s22+$0x0], $0xffff;
	[tilespmem:s8+$0xFFFFFF20] =	vst v11  }
0xc0: {  	v11 =	vld.idx.msk [tilespmem:v15+s22+$0x0], $0xffff;
	[tilespmem:s8+$0xFFFFFF70] =	vst v13  }
0xc1: {  	v13 =	vld.idx.msk [tilespmem:v17+s22+$0x0], $0xffff;
	[tilespmem:s8+$0xFFFFFFC0] =	vst v20  }
0xc2: {  	v15 =	vld [tilespmem:s3+$0xFFFFFFF0];
	[tilespmem:s8+$0xFFFFFF30] =	vst v16  }
0xc3: {  	v16 =	vld.idx.msk [tilespmem:v19+s22+$0x0], $0xffff;
	[tilespmem:s8+$0xFFFFFFD0] =	vst v12  }
0xc4: {  	v12 =	vld [tilespmem:s3+$0xFFFFFFC0];
	[tilespmem:s8+$0xFFFFFF60] =	vst v10  }
0xc5: {  	[tilespmem:s8+$0xFFFFFF90] =	vst v14;
	v8 =	vld.idx.msk [tilespmem:v8+s22+$0x0], $0xffff  }
0xc6: {  	v10 =	vld [tilespmem:s3+$0x20];
	[tilespmem:s8+$0xFFFFFFA0] =	vst v11;
	v11 =	vor.u32 $0x100, v5  }
0xc7: {  	v14 =	vld [tilespmem:s3+$0x30];
	[tilespmem:s8+$0x0] =	vst v13;
	v13 =	vor.u32 $0x100, v7  }
0xc8: {  	v19 =	vor.u32 $0x100, v6;
	v17 =	vld [tilespmem:s3+$0xFFFFFFD0]  }
0xc9: {  	v20 =	vor.u32 $0x180, v4;
	[tilespmem:s8+$0xFFFFFFB0] =	vst v16;
	v9 =	vld.idx.msk [tilespmem:v9+s22+$0x0], $0xffff  }
0xca: {  	v22 =	vor.u32 $0x100, v2;
	v23 =	vor.u32 $0x180, v5;
	v5 =	vor.u32 $0x100, v1;
	v16 =	vld [tilespmem:s3+$0x0]  }
0xcb: {  	v24 =	vor.u32 $0x100, v0;
	v4 =	vshll.u32 v12, $0x2;
	v11 =	vld.idx.msk [tilespmem:v11+s22+$0x0], $0xffff;
	[tilespmem:s8+$0xFFFFFFF0] =	vst v8;
	v8 =	vor.u32 $0x100, v3  }
0xcc: {  	v4 =	vand.u32 $0xFFFFFE00, v4;
	v25 =	vand.u32 $0x7F, v14;
	v14 =	vshll.u32 v14, $0x2;
	v13 =	vld.idx.msk [tilespmem:v13+s22+$0x0], $0xffff  }
0xcd: {  	v6 =	vor.u32 $0x180, v6;
	v12 =	vand.u32 $0x7F, v12;
	v14 =	vand.u32 $0xFFFFFE00, v14;
	v19 =	vld.idx.msk [tilespmem:v19+s22+$0x0], $0xffff  }
0xce: {  	v7 =	vor.u32 $0x180, v7;
	v4 =	vor.u32 v12, v4;
	v12 =	vshll.u32 v21, $0x2;
	v20 =	vld.idx.msk [tilespmem:v20+s22+$0x0], $0xffff  }
0xcf: {  	v26 =	vshll.u32 v15, $0x2;
	v14 =	vor.u32 v25, v14;
	v27 =	vshll.u32 v16, $0x2;
	v22 =	vld.idx.msk [tilespmem:v22+s22+$0x0], $0xffff;
	[tilespmem:s8+$0xFFFFFFE0] =	vst v9  }
0xd0: {  	v21 =	vand.u32 $0x7F, v21;
	v9 =	vand.u32 $0xFFFFFE00, v26;
	v16 =	vand.u32 $0x7F, v16;
	v25 =	vld.idx.msk [tilespmem:v5+s22+$0x0], $0xffff  }
0xd1: {  	v12 =	vand.u32 $0xFFFFFE00, v12;
	v26 =	vor.u32 $0x180, v2;
	v5 =	vand.u32 $0xFFFFFE00, v27;
	[tilespmem:s8+$0x50] =	vst v11;
	v8 =	vld.idx.msk [tilespmem:v8+s22+$0x0], $0xffff  }
0xd2: {  	v2 =	vshll.u32 v18, $0x2;
	v11 =	vor.u32 v16, v5;
	v5 =	vor.u32 v21, v12;
	[tilespmem:s8+$0x10] =	vst v13;
	v12 =	vld.idx.msk [tilespmem:v24+s22+$0x0], $0xffff  }
0xd3: {  	v2 =	vand.u32 $0xFFFFFE00, v2;
	v13 =	vor.u32 $0x180, v3;
	v3 =	vmov v14;
	v7 =	vld.idx.msk [tilespmem:v7+s22+$0x0], $0xffff;
	[tilespmem:s8+$0x30] =	vst v19  }
0xd4: {  	v14 =	vand.u32 $0x7F, v18;
	v18 =	vor.u32 $0x180, v0;
	v0 =	vmovc v11;
	v19 =	vor.u32 $0x180, v1;
	[tilespmem:s8+$0x80] =	vst v20;
	v16 =	vld.idx.msk [tilespmem:v6+s22+$0x0], $0xffff  }
0xd5: {  	v21 =	vor.u32 $0x80, v4;
	v2 =	vor.u32 v14, v2;
	v1 =	vand.u32 $0x7F, v15;
	[tilespmem:s8+$0x20] =	vst v22;
	v11 =	vld.idx.msk [tilespmem:v23+s22+$0x0], $0xffff  }
0xd6: {  	v6 =	vor.u32 v1, v9;
	v1 =	vshll.u32 v10, $0x2;
	v9 =	vld.idx.msk [tilespmem:v26+s22+$0x0], $0xffff;
	[tilespmem:s8+$0x60] =	vst v25  }
0xd7: {  	v10 =	vand.u32 $0x7F, v10;
	v1 =	vand.u32 $0xFFFFFE00, v1;
	v15 =	vld.idx.msk [tilespmem:v4+s22+$0x0], $0xffff;
	[tilespmem:s8+$0x70] =	vst v8  }
0xd8: {  	v1 =	vor.u32 v10, v1;
	[tilespmem:s8+$0x40] =	vst v12;
	v22 =	vld.idx.msk [tilespmem:v13+s22+$0x0], $0xffff  }
0xd9: {  	v8 =	vshll.u32 v17, $0x2;
	v12 =	vor.u32 $0x80, v5;
	v13 =	vld.idx.msk [tilespmem:v0+s22+$0x0], $0xffff;
	[tilespmem:s8+$0x90] =	vst v7  }
0xda: {  	v10 =	vand.u32 $0xFFFFFE00, v8;
	v8 =	vor.u32 $0x80, v3;
	v7 =	vand.u32 $0x7F, v17;
	[tilespmem:s8+$0xB0] =	vst v16;
	v16 =	vld.idx.msk [tilespmem:v18+s22+$0x0], $0xffff  }
0xdb: {  	v7 =	vor.u32 v7, v10;
	[tilespmem:s8+$0xD0] =	vst v11;
	v23 =	vld.idx.msk [tilespmem:v19+s22+$0x0], $0xffff  }
0xdc: {  	v14 =	vor.u32 $0x80, v7;
	v11 =	vld.idx.msk [tilespmem:v2+s22+$0x0], $0xffff  }
.Ltmp6:
0xdd: {  	[tilespmem:s10+$0xFFFFFF00] =	vst v15;
	v15 =	vor.u32 $0x80, v2;
	v17 =	vld.idx.msk [tilespmem:v5+s22+$0x0], $0xffff;
	(pc) =	sbr.rel @p2 .LBB2_9-.Ltmp6, $4  }
0xde: {  	v20 =	vor.u32 $0x80, v0;
	v10 =	vld.idx.msk [tilespmem:v1+s22+$0x0], $0xffff;
	[tilespmem:s8+$0xF0] =	vst v22  }
0xdf: {  	v18 =	vld.idx.msk [tilespmem:v21+s22+$0x0], $0xffff;
	[tilespmem:s8+$0xA0] =	vst v9  }
0xe0: {  	v19 =	vld.idx.msk [tilespmem:v7+s22+$0x0], $0xffff;
	[tilespmem:s8+$0xC0] =	vst v16  }
0xe1: {  	s3 =	sadd.s32 $0x80, s3;
	v9 =	vor.u32 $0x80, v1;
	v16 =	vld.idx.msk [tilespmem:v6+s22+$0x0], $0xffff;
	[tilespmem:s8+$0xE0] =	vst v23;
	s8 =	smov.u32 s10  }
0xe2: {  	_ =	sdelay $0x1  }
0xe3: {  	[tilespmem:s8+$0xFFFFFF40] =	vst v13  }
0xe4: {  	[tilespmem:s8+$0xFFFFFF50] =	vst v17  }
0xe5: {  	v34 =	vld.idx.msk [tilespmem:v3+s22+$0x0], $0xffff;
	[tilespmem:s8+$0xFFFFFF20] =	vst v11  }
0xe6: {  	v36 =	vor.u32 $0x80, v6;
	v35 =	vld.idx.msk [tilespmem:v20+s22+$0x0], $0xffff;
	[tilespmem:s8+$0xFFFFFF60] =	vst v10  }
0xe7: {  	v37 =	vor.u32 $0x100, v4;
	v12 =	vld.idx.msk [tilespmem:v12+s22+$0x0], $0xffff;
	[tilespmem:s8+$0xFFFFFF80] =	vst v18  }
0xe8: {  	v39 =	vld.idx.msk [tilespmem:v15+s22+$0x0], $0xffff;
	[tilespmem:s8+$0xFFFFFF10] =	vst v19  }
0xe9: {  	v40 =	vor.u32 $0x100, v5;
	v9 =	vld.idx.msk [tilespmem:v9+s22+$0x0], $0xffff;
	[tilespmem:s8+$0xFFFFFF30] =	vst v16  }
0xea: {  	v46 =	vor.u32 $0x100, v2;
	v38 =	vld.idx.msk [tilespmem:v14+s22+$0x0], $0xffff;
	[tilespmem:s8+$0xFFFFFF70] =	vst v34  }
0xeb: {  	v51 =	vor.u32 $0x100, v0;
	v41 =	vld.idx.msk [tilespmem:v36+s22+$0x0], $0xffff;
	[tilespmem:s8+$0xFFFFFFC0] =	vst v35  }
0xec: {  	v49 =	vor.u32 $0x100, v1;
	v43 =	vld.idx.msk [tilespmem:v37+s22+$0x0], $0xffff;
	[tilespmem:s8+$0xFFFFFFD0] =	vst v12  }
0xed: {  	v42 =	vor.u32 $0x100, v7;
	v8 =	vld.idx.msk [tilespmem:v8+s22+$0x0], $0xffff;
	[tilespmem:s8+$0xFFFFFFA0] =	vst v39  }
0xee: {  	v44 =	vor.u32 $0x100, v6;
	v47 =	vld.idx.msk [tilespmem:v40+s22+$0x0], $0xffff;
	[tilespmem:s8+$0xFFFFFFE0] =	vst v9  }
0xef: {  	v45 =	vor.u32 $0x180, v4;
	v54 =	vld.idx.msk [tilespmem:v46+s22+$0x0], $0xffff;
	[tilespmem:s8+$0xFFFFFF90] =	vst v38  }
0xf0: {  	v48 =	vor.u32 $0x100, v3;
	v60 =	vld.idx.msk [tilespmem:v51+s22+$0x0], $0xffff;
	[tilespmem:s8+$0xFFFFFFB0] =	vst v41  }
0xf1: {  	v55 =	vor.u32 $0x180, v5;
	v57 =	vld.idx.msk [tilespmem:v49+s22+$0x0], $0xffff;
	[tilespmem:s8+$0x0] =	vst v43  }
0xf2: {  	v59 =	vor.u32 $0x180, v2;
	v50 =	vld.idx.msk [tilespmem:v42+s22+$0x0], $0xffff;
	[tilespmem:s8+$0xFFFFFFF0] =	vst v8  }
0xf3: {  	v61 =	vor.u32 $0x180, v0;
	v12 =	vld.idx.msk [tilespmem:v44+s22+$0x0], $0xffff;
	[tilespmem:s8+$0x50] =	vst v47  }
0xf4: {  	v63 =	vor.u32 $0x180, v1;
	v4 =	vld.idx.msk [tilespmem:v45+s22+$0x0], $0xffff;
	[tilespmem:s8+$0x20] =	vst v54  }
0xf5: {  	v52 =	vor.u32 $0x180, v7;
	v56 =	vld.idx.msk [tilespmem:v48+s22+$0x0], $0xffff;
	[tilespmem:s8+$0x40] =	vst v60  }
0xf6: {  	v53 =	vor.u32 $0x180, v6;
	v5 =	vld.idx.msk [tilespmem:v55+s22+$0x0], $0xffff;
	[tilespmem:s8+$0x60] =	vst v57  }
0xf7: {  	v58 =	vor.u32 $0x180, v3;
	v2 =	vld.idx.msk [tilespmem:v59+s22+$0x0], $0xffff;
	[tilespmem:s8+$0x10] =	vst v50  }
0xf8: {  	v0 =	vld.idx.msk [tilespmem:v61+s22+$0x0], $0xffff;
	[tilespmem:s8+$0x30] =	vst v12  }
0xf9: {  	v1 =	vld.idx.msk [tilespmem:v63+s22+$0x0], $0xffff;
	[tilespmem:s8+$0x80] =	vst v4  }
0xfa: {  	v7 =	vld.idx.msk [tilespmem:v52+s22+$0x0], $0xffff;
	[tilespmem:s8+$0x70] =	vst v56  }
0xfb: {  	v62 =	vld.idx.msk [tilespmem:v53+s22+$0x0], $0xffff;
	[tilespmem:s8+$0xD0] =	vst v5  }
0xfc: {  	v3 =	vld.idx.msk [tilespmem:v58+s22+$0x0], $0xffff;
	[tilespmem:s8+$0xA0] =	vst v2  }
0xfd: {  	[tilespmem:s8+$0xC0] =	vst v0  }
.Ltmp7:
0xfe: {  	[tilespmem:s8+$0xE0] =	vst v1;
	(pc) =	sbr.rel @p1 .LBB2_12-.Ltmp7, $4  }
0xff: {  	[tilespmem:s8+$0x90] =	vst v7  }
0x100: {  	[tilespmem:s8+$0xB0] =	vst v62  }
0x101: {  	s3 =	sadd.s32 s18, s11;
	[tilespmem:s8+$0xF0] =	vst v3  }
0x102: {  	[hbm4b:s3+s19] =	stream.strided.scatter [tilespmem:s30], [sflag:$0x6], $0x2000, s20, s19, $0x38;
	[tilespmem:$0x10800] =	vst v63  }
.Ltmp8:
0x103: {  	(pc) =	sbr.rel .LBB2_13-.Ltmp8, $4  }
0x104: {  	_ = 	snop  }
0x105: {  	_ =	swait.ge [sflag:s31], $0x2000  }
0x106: {  	[sflag:s31] =	ssyncset.done $0x0  }
0x107: {  	[sflag:s31] =	ssyncadd.s32 $0xFFFFE000  }
.LBB2_12:
0x108: {  	s3 =	rddreg [dreg:$0x9]  }
.Ltmp9:
0x109: {  	s3 =	sadd.s32 s6, s3;
	(pc) =	sbr.rel @p0 .LBB2_14-.Ltmp9, $4  }
0x10a: {  	[tilespmem:s22], [sflag:$0x2] =	stream.strided.gather [hbm4b:s3+s19], $0x2000, s20, s19, $0x38;
	[tilespmem:$0x10800] =	vst v63  }
0x10b: {  	_ =	swait.ge [sflag:s31], $0x2000  }
0x10c: {  	[sflag:s31] =	ssyncset.done $0x0  }
0x10d: {  	[sflag:s31] =	ssyncadd.s32 $0xFFFFE000  }
.LBB2_13:
0x10e: {  	_ =	swait.ge [sflag:s0], $0x2000  }
0x10f: {  	[sflag:s0] =	ssyncset.done $0x0  }
0x110: {  	[sflag:s0] =	ssyncadd.s32 $0xFFFFE000  }
.LBB2_14:
0x111: {  	s3 =	simm.s32 $0x40  }
0x112: {  	v0 =	vld [tilespmem:s3+$0xFFFFFFC0]  }
0x113: {  	v1 =	vld [tilespmem:s3+$0x10]  }
0x114: {  	v3 =	vld [tilespmem:s3+$0xFFFFFFE0]  }
0x115: {  	v2 =	vld [tilespmem:s3+$0x0];
	_ =	sdelay $0x1  }
0x116: {  	v6 =	vld [tilespmem:s3+$0x20]  }
0x117: {  	v7 =	vld [tilespmem:s3+$0xFFFFFFF0];
	v4 =	vshll.u32 v0, $0x2;
	v0 =	vand.u32 $0x7F, v0;
	v5 =	vshll.u32 v1, $0x2  }
0x118: {  	v1 =	vand.u32 $0x7F, v1;
	v9 =	vshll.u32 v3, $0x2;
	v4 =	vand.u32 $0xFFFFFE00, v4  }
0x119: {  	v8 =	vld [tilespmem:s3+$0xFFFFFFD0];
	v3 =	vand.u32 $0x7F, v3;
	v4 =	vor.u32 v0, v4;
	v0 =	vshll.u32 v2, $0x2  }
0x11a: {  	v5 =	vand.u32 $0xFFFFFE00, v5;
	v2 =	vand.u32 $0x7F, v2;
	v0 =	vand.u32 $0xFFFFFE00, v0  }
0x11b: {  	v5 =	vor.u32 v1, v5;
	v0 =	vor.u32 v2, v0;
	v2 =	vand.u32 $0xFFFFFE00, v9;
	v9 =	vld [tilespmem:s3+$0x30]  }
0x11c: {  	v11 =	vand.u32 $0x7F, v7;
	v2 =	vor.u32 v3, v2;
	v3 =	vshll.u32 v6, $0x2  }
0x11d: {  	v1 =	vand.u32 $0x7F, v6;
	v12 =	vor.u32 $0x80, v4;
	v3 =	vand.u32 $0xFFFFFE00, v3  }
0x11e: {  	v6 =	vshll.u32 v7, $0x2;
	v10 =	vld.idx.msk [tilespmem:v4+s23+$0x0], $0xffff;
	v1 =	vor.u32 v1, v3;
	v3 =	vshll.u32 v8, $0x2  }
0x11f: {  	v6 =	vand.u32 $0xFFFFFE00, v6;
	v8 =	vand.u32 $0x7F, v8;
	v3 =	vand.u32 $0xFFFFFE00, v3  }
0x120: {  	v6 =	vor.u32 v11, v6;
	v17 =	vld.idx.msk [tilespmem:v5+s23+$0x0], $0xffff;
	v7 =	vor.u32 v8, v3;
	v3 =	vshll.u32 v9, $0x2  }
0x121: {  	v13 =	vld.idx.msk [tilespmem:v0+s23+$0x0], $0xffff;
	v8 =	vand.u32 $0x7F, v9;
	v3 =	vand.u32 $0xFFFFFE00, v3  }
0x122: {  	s8 =	simm.s32 $0xC900;
	v11 =	vld.idx.msk [tilespmem:v2+s23+$0x0], $0xffff;
	v3 =	vor.u32 v8, v3  }
0x123: {  	v20 =	vor.u32 $0x80, v0;
	[tilespmem:s8+$0xFFFFFF00] =	vst v10;
	v10 =	vld.idx.msk [tilespmem:v1+s23+$0x0], $0xffff  }
0x124: {  	v18 =	vld.idx.msk [tilespmem:v12+s23+$0x0], $0xffff;
	v12 =	vor.u32 $0x80, v5  }
0x125: {  	v15 =	vor.u32 $0x80, v2;
	v16 =	vld.idx.msk [tilespmem:v6+s23+$0x0], $0xffff  }
0x126: {  	s9 =	simm.s32 $0x0;
	s10 =	simm.s32 $0xC900;
	s3 =	simm.s32 $0xC0;
	v9 =	vor.u32 $0x80, v1;
	v14 =	vor.u32 $0x80, v7;
	v8 =	vor.u32 $0x80, v3;
	v19 =	vld.idx.msk [tilespmem:v7+s23+$0x0], $0xffff  }
.LBB2_15:
0x127: {  	s9 =	sadd.s32 $0x8, s9;
	[tilespmem:s8+$0xFFFFFF40] =	vst v13;
	v13 =	vld.idx.msk [tilespmem:v3+s23+$0x0], $0xffff;
	s10 =	sadd.s32 $0x200, s10  }
0x128: {  	p2 =	slt.u32 s9, $0x78;
	v20 =	vld.idx.msk [tilespmem:v20+s23+$0x0], $0xffff;
	[tilespmem:s8+$0xFFFFFF50] =	vst v17  }
0x129: {  	v17 =	vor.u32 $0x100, v4;
	v12 =	vld.idx.msk [tilespmem:v12+s23+$0x0], $0xffff  }
0x12a: {  	v21 =	vld [tilespmem:s3+$0x10];
	[tilespmem:s8+$0xFFFFFF80] =	vst v18  }
0x12b: {  	v18 =	vld [tilespmem:s3+$0xFFFFFFE0];
	[tilespmem:s8+$0xFFFFFF10] =	vst v19;
	v19 =	vor.u32 $0x80, v6  }
0x12c: {  	v14 =	vld.idx.msk [tilespmem:v14+s23+$0x0], $0xffff;
	[tilespmem:s8+$0xFFFFFF20] =	vst v11  }
0x12d: {  	v11 =	vld.idx.msk [tilespmem:v15+s23+$0x0], $0xffff;
	[tilespmem:s8+$0xFFFFFF70] =	vst v13  }
0x12e: {  	v13 =	vld.idx.msk [tilespmem:v17+s23+$0x0], $0xffff;
	[tilespmem:s8+$0xFFFFFFC0] =	vst v20  }
0x12f: {  	v15 =	vld [tilespmem:s3+$0xFFFFFFF0];
	[tilespmem:s8+$0xFFFFFF30] =	vst v16  }
0x130: {  	v16 =	vld.idx.msk [tilespmem:v19+s23+$0x0], $0xffff;
	[tilespmem:s8+$0xFFFFFFD0] =	vst v12  }
0x131: {  	v12 =	vld [tilespmem:s3+$0xFFFFFFC0];
	[tilespmem:s8+$0xFFFFFF60] =	vst v10  }
0x132: {  	[tilespmem:s8+$0xFFFFFF90] =	vst v14;
	v8 =	vld.idx.msk [tilespmem:v8+s23+$0x0], $0xffff  }
0x133: {  	v10 =	vld [tilespmem:s3+$0x20];
	[tilespmem:s8+$0xFFFFFFA0] =	vst v11;
	v11 =	vor.u32 $0x100, v5  }
0x134: {  	v14 =	vld [tilespmem:s3+$0x30];
	[tilespmem:s8+$0x0] =	vst v13;
	v13 =	vor.u32 $0x100, v7  }
0x135: {  	v19 =	vor.u32 $0x100, v6;
	v17 =	vld [tilespmem:s3+$0xFFFFFFD0]  }
0x136: {  	v20 =	vor.u32 $0x180, v4;
	[tilespmem:s8+$0xFFFFFFB0] =	vst v16;
	v9 =	vld.idx.msk [tilespmem:v9+s23+$0x0], $0xffff  }
0x137: {  	v22 =	vor.u32 $0x100, v2;
	v23 =	vor.u32 $0x180, v5;
	v5 =	vor.u32 $0x100, v1;
	v16 =	vld [tilespmem:s3+$0x0]  }
0x138: {  	v24 =	vor.u32 $0x100, v0;
	v4 =	vshll.u32 v12, $0x2;
	v11 =	vld.idx.msk [tilespmem:v11+s23+$0x0], $0xffff;
	[tilespmem:s8+$0xFFFFFFF0] =	vst v8;
	v8 =	vor.u32 $0x100, v3  }
0x139: {  	v4 =	vand.u32 $0xFFFFFE00, v4;
	v25 =	vand.u32 $0x7F, v14;
	v14 =	vshll.u32 v14, $0x2;
	v13 =	vld.idx.msk [tilespmem:v13+s23+$0x0], $0xffff  }
0x13a: {  	v6 =	vor.u32 $0x180, v6;
	v12 =	vand.u32 $0x7F, v12;
	v14 =	vand.u32 $0xFFFFFE00, v14;
	v19 =	vld.idx.msk [tilespmem:v19+s23+$0x0], $0xffff  }
0x13b: {  	v7 =	vor.u32 $0x180, v7;
	v4 =	vor.u32 v12, v4;
	v12 =	vshll.u32 v21, $0x2;
	v20 =	vld.idx.msk [tilespmem:v20+s23+$0x0], $0xffff  }
0x13c: {  	v26 =	vshll.u32 v15, $0x2;
	v14 =	vor.u32 v25, v14;
	v27 =	vshll.u32 v16, $0x2;
	v22 =	vld.idx.msk [tilespmem:v22+s23+$0x0], $0xffff;
	[tilespmem:s8+$0xFFFFFFE0] =	vst v9  }
0x13d: {  	v21 =	vand.u32 $0x7F, v21;
	v9 =	vand.u32 $0xFFFFFE00, v26;
	v16 =	vand.u32 $0x7F, v16;
	v25 =	vld.idx.msk [tilespmem:v5+s23+$0x0], $0xffff  }
0x13e: {  	v12 =	vand.u32 $0xFFFFFE00, v12;
	v26 =	vor.u32 $0x180, v2;
	v5 =	vand.u32 $0xFFFFFE00, v27;
	[tilespmem:s8+$0x50] =	vst v11;
	v8 =	vld.idx.msk [tilespmem:v8+s23+$0x0], $0xffff  }
0x13f: {  	v2 =	vshll.u32 v18, $0x2;
	v11 =	vor.u32 v16, v5;
	v5 =	vor.u32 v21, v12;
	[tilespmem:s8+$0x10] =	vst v13;
	v12 =	vld.idx.msk [tilespmem:v24+s23+$0x0], $0xffff  }
0x140: {  	v2 =	vand.u32 $0xFFFFFE00, v2;
	v13 =	vor.u32 $0x180, v3;
	v3 =	vmov v14;
	v7 =	vld.idx.msk [tilespmem:v7+s23+$0x0], $0xffff;
	[tilespmem:s8+$0x30] =	vst v19  }
0x141: {  	v14 =	vand.u32 $0x7F, v18;
	v18 =	vor.u32 $0x180, v0;
	v0 =	vmovc v11;
	v19 =	vor.u32 $0x180, v1;
	[tilespmem:s8+$0x80] =	vst v20;
	v16 =	vld.idx.msk [tilespmem:v6+s23+$0x0], $0xffff  }
0x142: {  	v21 =	vor.u32 $0x80, v4;
	v2 =	vor.u32 v14, v2;
	v1 =	vand.u32 $0x7F, v15;
	[tilespmem:s8+$0x20] =	vst v22;
	v11 =	vld.idx.msk [tilespmem:v23+s23+$0x0], $0xffff  }
0x143: {  	v6 =	vor.u32 v1, v9;
	v1 =	vshll.u32 v10, $0x2;
	v9 =	vld.idx.msk [tilespmem:v26+s23+$0x0], $0xffff;
	[tilespmem:s8+$0x60] =	vst v25  }
0x144: {  	v10 =	vand.u32 $0x7F, v10;
	v1 =	vand.u32 $0xFFFFFE00, v1;
	v15 =	vld.idx.msk [tilespmem:v4+s23+$0x0], $0xffff;
	[tilespmem:s8+$0x70] =	vst v8  }
0x145: {  	v1 =	vor.u32 v10, v1;
	[tilespmem:s8+$0x40] =	vst v12;
	v22 =	vld.idx.msk [tilespmem:v13+s23+$0x0], $0xffff  }
0x146: {  	v8 =	vshll.u32 v17, $0x2;
	v12 =	vor.u32 $0x80, v5;
	v13 =	vld.idx.msk [tilespmem:v0+s23+$0x0], $0xffff;
	[tilespmem:s8+$0x90] =	vst v7  }
0x147: {  	v10 =	vand.u32 $0xFFFFFE00, v8;
	v8 =	vor.u32 $0x80, v3;
	v7 =	vand.u32 $0x7F, v17;
	[tilespmem:s8+$0xB0] =	vst v16;
	v16 =	vld.idx.msk [tilespmem:v18+s23+$0x0], $0xffff  }
0x148: {  	v7 =	vor.u32 v7, v10;
	[tilespmem:s8+$0xD0] =	vst v11;
	v23 =	vld.idx.msk [tilespmem:v19+s23+$0x0], $0xffff  }
0x149: {  	v14 =	vor.u32 $0x80, v7;
	v11 =	vld.idx.msk [tilespmem:v2+s23+$0x0], $0xffff  }
.Ltmp10:
0x14a: {  	[tilespmem:s10+$0xFFFFFF00] =	vst v15;
	v15 =	vor.u32 $0x80, v2;
	v17 =	vld.idx.msk [tilespmem:v5+s23+$0x0], $0xffff;
	(pc) =	sbr.rel @p2 .LBB2_15-.Ltmp10, $4  }
0x14b: {  	v20 =	vor.u32 $0x80, v0;
	v10 =	vld.idx.msk [tilespmem:v1+s23+$0x0], $0xffff;
	[tilespmem:s8+$0xF0] =	vst v22  }
0x14c: {  	v18 =	vld.idx.msk [tilespmem:v21+s23+$0x0], $0xffff;
	[tilespmem:s8+$0xA0] =	vst v9  }
0x14d: {  	v19 =	vld.idx.msk [tilespmem:v7+s23+$0x0], $0xffff;
	[tilespmem:s8+$0xC0] =	vst v16  }
0x14e: {  	s3 =	sadd.s32 $0x80, s3;
	v9 =	vor.u32 $0x80, v1;
	v16 =	vld.idx.msk [tilespmem:v6+s23+$0x0], $0xffff;
	[tilespmem:s8+$0xE0] =	vst v23;
	s8 =	smov.u32 s10  }
0x14f: {  	_ =	sdelay $0x1  }
0x150: {  	[tilespmem:s8+$0xFFFFFF40] =	vst v13  }
0x151: {  	[tilespmem:s8+$0xFFFFFF50] =	vst v17  }
0x152: {  	v34 =	vld.idx.msk [tilespmem:v3+s23+$0x0], $0xffff;
	[tilespmem:s8+$0xFFFFFF20] =	vst v11  }
0x153: {  	v36 =	vor.u32 $0x80, v6;
	v35 =	vld.idx.msk [tilespmem:v20+s23+$0x0], $0xffff;
	[tilespmem:s8+$0xFFFFFF60] =	vst v10  }
0x154: {  	v37 =	vor.u32 $0x100, v4;
	v12 =	vld.idx.msk [tilespmem:v12+s23+$0x0], $0xffff;
	[tilespmem:s8+$0xFFFFFF80] =	vst v18  }
0x155: {  	v39 =	vld.idx.msk [tilespmem:v15+s23+$0x0], $0xffff;
	[tilespmem:s8+$0xFFFFFF10] =	vst v19  }
0x156: {  	v40 =	vor.u32 $0x100, v5;
	v9 =	vld.idx.msk [tilespmem:v9+s23+$0x0], $0xffff;
	[tilespmem:s8+$0xFFFFFF30] =	vst v16  }
0x157: {  	v46 =	vor.u32 $0x100, v2;
	v38 =	vld.idx.msk [tilespmem:v14+s23+$0x0], $0xffff;
	[tilespmem:s8+$0xFFFFFF70] =	vst v34  }
0x158: {  	v51 =	vor.u32 $0x100, v0;
	v41 =	vld.idx.msk [tilespmem:v36+s23+$0x0], $0xffff;
	[tilespmem:s8+$0xFFFFFFC0] =	vst v35  }
0x159: {  	v49 =	vor.u32 $0x100, v1;
	v43 =	vld.idx.msk [tilespmem:v37+s23+$0x0], $0xffff;
	[tilespmem:s8+$0xFFFFFFD0] =	vst v12  }
0x15a: {  	v42 =	vor.u32 $0x100, v7;
	v8 =	vld.idx.msk [tilespmem:v8+s23+$0x0], $0xffff;
	[tilespmem:s8+$0xFFFFFFA0] =	vst v39  }
0x15b: {  	v44 =	vor.u32 $0x100, v6;
	v47 =	vld.idx.msk [tilespmem:v40+s23+$0x0], $0xffff;
	[tilespmem:s8+$0xFFFFFFE0] =	vst v9  }
0x15c: {  	v45 =	vor.u32 $0x180, v4;
	v54 =	vld.idx.msk [tilespmem:v46+s23+$0x0], $0xffff;
	[tilespmem:s8+$0xFFFFFF90] =	vst v38  }
0x15d: {  	v48 =	vor.u32 $0x100, v3;
	v60 =	vld.idx.msk [tilespmem:v51+s23+$0x0], $0xffff;
	[tilespmem:s8+$0xFFFFFFB0] =	vst v41  }
0x15e: {  	v55 =	vor.u32 $0x180, v5;
	v57 =	vld.idx.msk [tilespmem:v49+s23+$0x0], $0xffff;
	[tilespmem:s8+$0x0] =	vst v43  }
0x15f: {  	v59 =	vor.u32 $0x180, v2;
	v50 =	vld.idx.msk [tilespmem:v42+s23+$0x0], $0xffff;
	[tilespmem:s8+$0xFFFFFFF0] =	vst v8  }
0x160: {  	v61 =	vor.u32 $0x180, v0;
	v12 =	vld.idx.msk [tilespmem:v44+s23+$0x0], $0xffff;
	[tilespmem:s8+$0x50] =	vst v47  }
0x161: {  	v63 =	vor.u32 $0x180, v1;
	v4 =	vld.idx.msk [tilespmem:v45+s23+$0x0], $0xffff;
	[tilespmem:s8+$0x20] =	vst v54  }
0x162: {  	v52 =	vor.u32 $0x180, v7;
	v56 =	vld.idx.msk [tilespmem:v48+s23+$0x0], $0xffff;
	[tilespmem:s8+$0x40] =	vst v60  }
0x163: {  	v53 =	vor.u32 $0x180, v6;
	v5 =	vld.idx.msk [tilespmem:v55+s23+$0x0], $0xffff;
	[tilespmem:s8+$0x60] =	vst v57  }
0x164: {  	v58 =	vor.u32 $0x180, v3;
	v2 =	vld.idx.msk [tilespmem:v59+s23+$0x0], $0xffff;
	[tilespmem:s8+$0x10] =	vst v50  }
0x165: {  	v0 =	vld.idx.msk [tilespmem:v61+s23+$0x0], $0xffff;
	[tilespmem:s8+$0x30] =	vst v12  }
0x166: {  	v1 =	vld.idx.msk [tilespmem:v63+s23+$0x0], $0xffff;
	[tilespmem:s8+$0x80] =	vst v4  }
0x167: {  	v7 =	vld.idx.msk [tilespmem:v52+s23+$0x0], $0xffff;
	[tilespmem:s8+$0x70] =	vst v56  }
0x168: {  	v62 =	vld.idx.msk [tilespmem:v53+s23+$0x0], $0xffff;
	[tilespmem:s8+$0xD0] =	vst v5  }
0x169: {  	v3 =	vld.idx.msk [tilespmem:v58+s23+$0x0], $0xffff;
	[tilespmem:s8+$0xA0] =	vst v2  }
0x16a: {  	[tilespmem:s8+$0xC0] =	vst v0  }
.Ltmp11:
0x16b: {  	[tilespmem:s8+$0xE0] =	vst v1;
	(pc) =	sbr.rel @p1 .LBB2_18-.Ltmp11, $4  }
0x16c: {  	[tilespmem:s8+$0x90] =	vst v7  }
0x16d: {  	[tilespmem:s8+$0xB0] =	vst v62  }
0x16e: {  	s3 =	sadd.s32 s18, s13;
	[tilespmem:s8+$0xF0] =	vst v3  }
0x16f: {  	[hbm4b:s3+s19] =	stream.strided.scatter [tilespmem:s1], [sflag:$0x7], $0x2000, s20, s19, $0x38;
	[tilespmem:$0x10800] =	vst v63  }
.Ltmp12:
0x170: {  	(pc) =	sbr.rel .LBB2_19-.Ltmp12, $4  }
0x171: {  	_ = 	snop  }
0x172: {  	_ =	swait.ge [sflag:s2], $0x2000  }
0x173: {  	[sflag:s2] =	ssyncset.done $0x0  }
0x174: {  	[sflag:s2] =	ssyncadd.s32 $0xFFFFE000  }
.LBB2_18:
.Ltmp13:
0x175: {  	s3 =	sadd.s32 s6, s14;
	(pc) =	sbr.rel @p0 .LBB2_20-.Ltmp13, $4  }
0x176: {  	[tilespmem:s23], [sflag:$0x3] =	stream.strided.gather [hbm4b:s3+s19], $0x2000, s20, s19, $0x38;
	[tilespmem:$0x10800] =	vst v63  }
0x177: {  	_ =	swait.ge [sflag:s2], $0x2000  }
0x178: {  	[sflag:s2] =	ssyncset.done $0x0  }
0x179: {  	[sflag:s2] =	ssyncadd.s32 $0xFFFFE000  }
.LBB2_19:
0x17a: {  	_ =	swait.ge [sflag:s4], $0x2000  }
0x17b: {  	[sflag:s4] =	ssyncset.done $0x0  }
0x17c: {  	[sflag:s4] =	ssyncadd.s32 $0xFFFFE000  }
.LBB2_20:
0x17d: {  	s3 =	simm.s32 $0x40  }
0x17e: {  	v0 =	vld [tilespmem:s3+$0xFFFFFFC0]  }
0x17f: {  	v1 =	vld [tilespmem:s3+$0x10]  }
0x180: {  	v3 =	vld [tilespmem:s3+$0xFFFFFFE0]  }
0x181: {  	v2 =	vld [tilespmem:s3+$0x0];
	_ =	sdelay $0x1  }
0x182: {  	v6 =	vld [tilespmem:s3+$0x20]  }
0x183: {  	v7 =	vld [tilespmem:s3+$0xFFFFFFF0];
	v4 =	vshll.u32 v0, $0x2;
	v0 =	vand.u32 $0x7F, v0;
	v5 =	vshll.u32 v1, $0x2  }
0x184: {  	v1 =	vand.u32 $0x7F, v1;
	v9 =	vshll.u32 v3, $0x2;
	v4 =	vand.u32 $0xFFFFFE00, v4  }
0x185: {  	v8 =	vld [tilespmem:s3+$0xFFFFFFD0];
	v3 =	vand.u32 $0x7F, v3;
	v4 =	vor.u32 v0, v4;
	v0 =	vshll.u32 v2, $0x2  }
0x186: {  	v5 =	vand.u32 $0xFFFFFE00, v5;
	v2 =	vand.u32 $0x7F, v2;
	v0 =	vand.u32 $0xFFFFFE00, v0  }
0x187: {  	v5 =	vor.u32 v1, v5;
	v0 =	vor.u32 v2, v0;
	v2 =	vand.u32 $0xFFFFFE00, v9;
	v9 =	vld [tilespmem:s3+$0x30]  }
0x188: {  	v11 =	vand.u32 $0x7F, v7;
	v2 =	vor.u32 v3, v2;
	v3 =	vshll.u32 v6, $0x2  }
0x189: {  	v1 =	vand.u32 $0x7F, v6;
	v12 =	vor.u32 $0x80, v4;
	v3 =	vand.u32 $0xFFFFFE00, v3  }
0x18a: {  	v6 =	vshll.u32 v7, $0x2;
	v10 =	vld.idx.msk [tilespmem:v4+s24+$0x0], $0xffff;
	v1 =	vor.u32 v1, v3;
	v3 =	vshll.u32 v8, $0x2  }
0x18b: {  	v6 =	vand.u32 $0xFFFFFE00, v6;
	v8 =	vand.u32 $0x7F, v8;
	v3 =	vand.u32 $0xFFFFFE00, v3  }
0x18c: {  	v6 =	vor.u32 v11, v6;
	v17 =	vld.idx.msk [tilespmem:v5+s24+$0x0], $0xffff;
	v7 =	vor.u32 v8, v3;
	v3 =	vshll.u32 v9, $0x2  }
0x18d: {  	v13 =	vld.idx.msk [tilespmem:v0+s24+$0x0], $0xffff;
	v8 =	vand.u32 $0x7F, v9;
	v3 =	vand.u32 $0xFFFFFE00, v3  }
0x18e: {  	s8 =	simm.s32 $0xE900;
	v11 =	vld.idx.msk [tilespmem:v2+s24+$0x0], $0xffff;
	v3 =	vor.u32 v8, v3  }
0x18f: {  	v20 =	vor.u32 $0x80, v0;
	[tilespmem:s8+$0xFFFFFF00] =	vst v10;
	v10 =	vld.idx.msk [tilespmem:v1+s24+$0x0], $0xffff  }
0x190: {  	v18 =	vld.idx.msk [tilespmem:v12+s24+$0x0], $0xffff;
	v12 =	vor.u32 $0x80, v5  }
0x191: {  	v15 =	vor.u32 $0x80, v2;
	v16 =	vld.idx.msk [tilespmem:v6+s24+$0x0], $0xffff  }
0x192: {  	s9 =	simm.s32 $0x0;
	s10 =	simm.s32 $0xE900;
	s3 =	simm.s32 $0xC0;
	v9 =	vor.u32 $0x80, v1;
	v14 =	vor.u32 $0x80, v7;
	v8 =	vor.u32 $0x80, v3;
	v19 =	vld.idx.msk [tilespmem:v7+s24+$0x0], $0xffff  }
.LBB2_21:
0x193: {  	s9 =	sadd.s32 $0x8, s9;
	[tilespmem:s8+$0xFFFFFF40] =	vst v13;
	v13 =	vld.idx.msk [tilespmem:v3+s24+$0x0], $0xffff;
	s10 =	sadd.s32 $0x200, s10  }
0x194: {  	p0 =	slt.u32 s9, $0x78;
	v20 =	vld.idx.msk [tilespmem:v20+s24+$0x0], $0xffff;
	[tilespmem:s8+$0xFFFFFF50] =	vst v17  }
0x195: {  	v17 =	vor.u32 $0x100, v4;
	v12 =	vld.idx.msk [tilespmem:v12+s24+$0x0], $0xffff  }
0x196: {  	v21 =	vld [tilespmem:s3+$0x10];
	[tilespmem:s8+$0xFFFFFF80] =	vst v18  }
0x197: {  	v18 =	vld [tilespmem:s3+$0xFFFFFFE0];
	[tilespmem:s8+$0xFFFFFF10] =	vst v19;
	v19 =	vor.u32 $0x80, v6  }
0x198: {  	v14 =	vld.idx.msk [tilespmem:v14+s24+$0x0], $0xffff;
	[tilespmem:s8+$0xFFFFFF20] =	vst v11  }
0x199: {  	v11 =	vld.idx.msk [tilespmem:v15+s24+$0x0], $0xffff;
	[tilespmem:s8+$0xFFFFFF70] =	vst v13  }
0x19a: {  	v13 =	vld.idx.msk [tilespmem:v17+s24+$0x0], $0xffff;
	[tilespmem:s8+$0xFFFFFFC0] =	vst v20  }
0x19b: {  	v15 =	vld [tilespmem:s3+$0xFFFFFFF0];
	[tilespmem:s8+$0xFFFFFF30] =	vst v16  }
0x19c: {  	v16 =	vld.idx.msk [tilespmem:v19+s24+$0x0], $0xffff;
	[tilespmem:s8+$0xFFFFFFD0] =	vst v12  }
0x19d: {  	v12 =	vld [tilespmem:s3+$0xFFFFFFC0];
	[tilespmem:s8+$0xFFFFFF60] =	vst v10  }
0x19e: {  	[tilespmem:s8+$0xFFFFFF90] =	vst v14;
	v8 =	vld.idx.msk [tilespmem:v8+s24+$0x0], $0xffff  }
0x19f: {  	v10 =	vld [tilespmem:s3+$0x20];
	[tilespmem:s8+$0xFFFFFFA0] =	vst v11;
	v11 =	vor.u32 $0x100, v5  }
0x1a0: {  	v14 =	vld [tilespmem:s3+$0x30];
	[tilespmem:s8+$0x0] =	vst v13;
	v13 =	vor.u32 $0x100, v7  }
0x1a1: {  	v19 =	vor.u32 $0x100, v6;
	v17 =	vld [tilespmem:s3+$0xFFFFFFD0]  }
0x1a2: {  	v20 =	vor.u32 $0x180, v4;
	[tilespmem:s8+$0xFFFFFFB0] =	vst v16;
	v9 =	vld.idx.msk [tilespmem:v9+s24+$0x0], $0xffff  }
0x1a3: {  	v22 =	vor.u32 $0x100, v2;
	v23 =	vor.u32 $0x180, v5;
	v5 =	vor.u32 $0x100, v1;
	v16 =	vld [tilespmem:s3+$0x0]  }
0x1a4: {  	v24 =	vor.u32 $0x100, v0;
	v4 =	vshll.u32 v12, $0x2;
	v11 =	vld.idx.msk [tilespmem:v11+s24+$0x0], $0xffff;
	[tilespmem:s8+$0xFFFFFFF0] =	vst v8;
	v8 =	vor.u32 $0x100, v3  }
0x1a5: {  	v4 =	vand.u32 $0xFFFFFE00, v4;
	v25 =	vand.u32 $0x7F, v14;
	v14 =	vshll.u32 v14, $0x2;
	v13 =	vld.idx.msk [tilespmem:v13+s24+$0x0], $0xffff  }
0x1a6: {  	v6 =	vor.u32 $0x180, v6;
	v12 =	vand.u32 $0x7F, v12;
	v14 =	vand.u32 $0xFFFFFE00, v14;
	v19 =	vld.idx.msk [tilespmem:v19+s24+$0x0], $0xffff  }
0x1a7: {  	v7 =	vor.u32 $0x180, v7;
	v4 =	vor.u32 v12, v4;
	v12 =	vshll.u32 v21, $0x2;
	v20 =	vld.idx.msk [tilespmem:v20+s24+$0x0], $0xffff  }
0x1a8: {  	v26 =	vshll.u32 v15, $0x2;
	v14 =	vor.u32 v25, v14;
	v27 =	vshll.u32 v16, $0x2;
	v22 =	vld.idx.msk [tilespmem:v22+s24+$0x0], $0xffff;
	[tilespmem:s8+$0xFFFFFFE0] =	vst v9  }
0x1a9: {  	v21 =	vand.u32 $0x7F, v21;
	v9 =	vand.u32 $0xFFFFFE00, v26;
	v16 =	vand.u32 $0x7F, v16;
	v25 =	vld.idx.msk [tilespmem:v5+s24+$0x0], $0xffff  }
0x1aa: {  	v12 =	vand.u32 $0xFFFFFE00, v12;
	v26 =	vor.u32 $0x180, v2;
	v5 =	vand.u32 $0xFFFFFE00, v27;
	[tilespmem:s8+$0x50] =	vst v11;
	v8 =	vld.idx.msk [tilespmem:v8+s24+$0x0], $0xffff  }
0x1ab: {  	v2 =	vshll.u32 v18, $0x2;
	v11 =	vor.u32 v16, v5;
	v5 =	vor.u32 v21, v12;
	[tilespmem:s8+$0x10] =	vst v13;
	v12 =	vld.idx.msk [tilespmem:v24+s24+$0x0], $0xffff  }
0x1ac: {  	v2 =	vand.u32 $0xFFFFFE00, v2;
	v13 =	vor.u32 $0x180, v3;
	v3 =	vmov v14;
	v7 =	vld.idx.msk [tilespmem:v7+s24+$0x0], $0xffff;
	[tilespmem:s8+$0x30] =	vst v19  }
0x1ad: {  	v14 =	vand.u32 $0x7F, v18;
	v18 =	vor.u32 $0x180, v0;
	v0 =	vmovc v11;
	v19 =	vor.u32 $0x180, v1;
	[tilespmem:s8+$0x80] =	vst v20;
	v16 =	vld.idx.msk [tilespmem:v6+s24+$0x0], $0xffff  }
0x1ae: {  	v21 =	vor.u32 $0x80, v4;
	v2 =	vor.u32 v14, v2;
	v1 =	vand.u32 $0x7F, v15;
	[tilespmem:s8+$0x20] =	vst v22;
	v11 =	vld.idx.msk [tilespmem:v23+s24+$0x0], $0xffff  }
0x1af: {  	v6 =	vor.u32 v1, v9;
	v1 =	vshll.u32 v10, $0x2;
	v9 =	vld.idx.msk [tilespmem:v26+s24+$0x0], $0xffff;
	[tilespmem:s8+$0x60] =	vst v25  }
0x1b0: {  	v10 =	vand.u32 $0x7F, v10;
	v1 =	vand.u32 $0xFFFFFE00, v1;
	v15 =	vld.idx.msk [tilespmem:v4+s24+$0x0], $0xffff;
	[tilespmem:s8+$0x70] =	vst v8  }
0x1b1: {  	v1 =	vor.u32 v10, v1;
	[tilespmem:s8+$0x40] =	vst v12;
	v22 =	vld.idx.msk [tilespmem:v13+s24+$0x0], $0xffff  }
0x1b2: {  	v8 =	vshll.u32 v17, $0x2;
	v12 =	vor.u32 $0x80, v5;
	v13 =	vld.idx.msk [tilespmem:v0+s24+$0x0], $0xffff;
	[tilespmem:s8+$0x90] =	vst v7  }
0x1b3: {  	v10 =	vand.u32 $0xFFFFFE00, v8;
	v8 =	vor.u32 $0x80, v3;
	v7 =	vand.u32 $0x7F, v17;
	[tilespmem:s8+$0xB0] =	vst v16;
	v16 =	vld.idx.msk [tilespmem:v18+s24+$0x0], $0xffff  }
0x1b4: {  	v7 =	vor.u32 v7, v10;
	[tilespmem:s8+$0xD0] =	vst v11;
	v23 =	vld.idx.msk [tilespmem:v19+s24+$0x0], $0xffff  }
0x1b5: {  	v14 =	vor.u32 $0x80, v7;
	v11 =	vld.idx.msk [tilespmem:v2+s24+$0x0], $0xffff  }
.Ltmp14:
0x1b6: {  	[tilespmem:s10+$0xFFFFFF00] =	vst v15;
	v15 =	vor.u32 $0x80, v2;
	v17 =	vld.idx.msk [tilespmem:v5+s24+$0x0], $0xffff;
	(pc) =	sbr.rel @p0 .LBB2_21-.Ltmp14, $4  }
0x1b7: {  	v20 =	vor.u32 $0x80, v0;
	v10 =	vld.idx.msk [tilespmem:v1+s24+$0x0], $0xffff;
	[tilespmem:s8+$0xF0] =	vst v22  }
0x1b8: {  	v18 =	vld.idx.msk [tilespmem:v21+s24+$0x0], $0xffff;
	[tilespmem:s8+$0xA0] =	vst v9  }
0x1b9: {  	v19 =	vld.idx.msk [tilespmem:v7+s24+$0x0], $0xffff;
	[tilespmem:s8+$0xC0] =	vst v16  }
0x1ba: {  	s3 =	sadd.s32 $0x80, s3;
	v9 =	vor.u32 $0x80, v1;
	v16 =	vld.idx.msk [tilespmem:v6+s24+$0x0], $0xffff;
	[tilespmem:s8+$0xE0] =	vst v23;
	s8 =	smov.u32 s10  }
0x1bb: {  	_ =	sdelay $0x1  }
0x1bc: {  	[tilespmem:s8+$0xFFFFFF40] =	vst v13  }
0x1bd: {  	[tilespmem:s8+$0xFFFFFF50] =	vst v17  }
0x1be: {  	v34 =	vld.idx.msk [tilespmem:v3+s24+$0x0], $0xffff;
	[tilespmem:s8+$0xFFFFFF20] =	vst v11  }
0x1bf: {  	v36 =	vor.u32 $0x80, v6;
	v35 =	vld.idx.msk [tilespmem:v20+s24+$0x0], $0xffff;
	[tilespmem:s8+$0xFFFFFF60] =	vst v10  }
0x1c0: {  	v37 =	vor.u32 $0x100, v4;
	v12 =	vld.idx.msk [tilespmem:v12+s24+$0x0], $0xffff;
	[tilespmem:s8+$0xFFFFFF80] =	vst v18  }
0x1c1: {  	v39 =	vld.idx.msk [tilespmem:v15+s24+$0x0], $0xffff;
	[tilespmem:s8+$0xFFFFFF10] =	vst v19  }
0x1c2: {  	v40 =	vor.u32 $0x100, v5;
	v9 =	vld.idx.msk [tilespmem:v9+s24+$0x0], $0xffff;
	[tilespmem:s8+$0xFFFFFF30] =	vst v16  }
0x1c3: {  	v46 =	vor.u32 $0x100, v2;
	v38 =	vld.idx.msk [tilespmem:v14+s24+$0x0], $0xffff;
	[tilespmem:s8+$0xFFFFFF70] =	vst v34  }
0x1c4: {  	v51 =	vor.u32 $0x100, v0;
	v41 =	vld.idx.msk [tilespmem:v36+s24+$0x0], $0xffff;
	[tilespmem:s8+$0xFFFFFFC0] =	vst v35  }
0x1c5: {  	v49 =	vor.u32 $0x100, v1;
	v43 =	vld.idx.msk [tilespmem:v37+s24+$0x0], $0xffff;
	[tilespmem:s8+$0xFFFFFFD0] =	vst v12  }
0x1c6: {  	v42 =	vor.u32 $0x100, v7;
	v8 =	vld.idx.msk [tilespmem:v8+s24+$0x0], $0xffff;
	[tilespmem:s8+$0xFFFFFFA0] =	vst v39  }
0x1c7: {  	v44 =	vor.u32 $0x100, v6;
	v47 =	vld.idx.msk [tilespmem:v40+s24+$0x0], $0xffff;
	[tilespmem:s8+$0xFFFFFFE0] =	vst v9  }
0x1c8: {  	v45 =	vor.u32 $0x180, v4;
	v54 =	vld.idx.msk [tilespmem:v46+s24+$0x0], $0xffff;
	[tilespmem:s8+$0xFFFFFF90] =	vst v38  }
0x1c9: {  	v48 =	vor.u32 $0x100, v3;
	v60 =	vld.idx.msk [tilespmem:v51+s24+$0x0], $0xffff;
	[tilespmem:s8+$0xFFFFFFB0] =	vst v41  }
0x1ca: {  	v55 =	vor.u32 $0x180, v5;
	v57 =	vld.idx.msk [tilespmem:v49+s24+$0x0], $0xffff;
	[tilespmem:s8+$0x0] =	vst v43  }
0x1cb: {  	v59 =	vor.u32 $0x180, v2;
	v50 =	vld.idx.msk [tilespmem:v42+s24+$0x0], $0xffff;
	[tilespmem:s8+$0xFFFFFFF0] =	vst v8  }
0x1cc: {  	v61 =	vor.u32 $0x180, v0;
	v12 =	vld.idx.msk [tilespmem:v44+s24+$0x0], $0xffff;
	[tilespmem:s8+$0x50] =	vst v47  }
0x1cd: {  	v63 =	vor.u32 $0x180, v1;
	v4 =	vld.idx.msk [tilespmem:v45+s24+$0x0], $0xffff;
	[tilespmem:s8+$0x20] =	vst v54  }
0x1ce: {  	v52 =	vor.u32 $0x180, v7;
	v56 =	vld.idx.msk [tilespmem:v48+s24+$0x0], $0xffff;
	[tilespmem:s8+$0x40] =	vst v60  }
0x1cf: {  	v53 =	vor.u32 $0x180, v6;
	v5 =	vld.idx.msk [tilespmem:v55+s24+$0x0], $0xffff;
	[tilespmem:s8+$0x60] =	vst v57  }
0x1d0: {  	v58 =	vor.u32 $0x180, v3;
	v2 =	vld.idx.msk [tilespmem:v59+s24+$0x0], $0xffff;
	[tilespmem:s8+$0x10] =	vst v50  }
0x1d1: {  	v0 =	vld.idx.msk [tilespmem:v61+s24+$0x0], $0xffff;
	[tilespmem:s8+$0x30] =	vst v12  }
0x1d2: {  	v1 =	vld.idx.msk [tilespmem:v63+s24+$0x0], $0xffff;
	[tilespmem:s8+$0x80] =	vst v4  }
0x1d3: {  	v7 =	vld.idx.msk [tilespmem:v52+s24+$0x0], $0xffff;
	[tilespmem:s8+$0x70] =	vst v56  }
0x1d4: {  	v62 =	vld.idx.msk [tilespmem:v53+s24+$0x0], $0xffff;
	[tilespmem:s8+$0xD0] =	vst v5  }
0x1d5: {  	v3 =	vld.idx.msk [tilespmem:v58+s24+$0x0], $0xffff;
	[tilespmem:s8+$0xA0] =	vst v2  }
0x1d6: {  	p0 =	seq.s32 s17, $0x1F;
	[tilespmem:s8+$0xC0] =	vst v0  }
.Ltmp15:
0x1d7: {  	[tilespmem:s8+$0xE0] =	vst v1;
	(pc) =	sbr.rel @p0 .LBB2_24-.Ltmp15, $4  }
0x1d8: {  	[tilespmem:s8+$0x90] =	vst v7  }
0x1d9: {  	[tilespmem:s8+$0xB0] =	vst v62  }
0x1da: {  	s3 =	sadd.s32 s18, s15;
	[tilespmem:s8+$0xF0] =	vst v3  }
0x1db: {  	[hbm4b:s3+s19] =	stream.strided.scatter [tilespmem:s7], [sflag:$0x8], $0x2000, s20, s19, $0x38;
	[tilespmem:$0x10800] =	vst v63  }
.Ltmp16:
0x1dc: {  	(pc) =	sbr.rel .LBB2_2-.Ltmp16, $3  }
0x1dd: {  	_ =	sdelay $0x1  }
0x1de: {  	s3 =	sadd.s32 s6, s16;
	s17 =	sadd.s32 $0x1, s17  }
0x1df: {  	[tilespmem:s24], [sflag:$0x4] =	stream.strided.gather [hbm4b:s3+s19], $0x2000, s20, s19, $0x38;
	[tilespmem:$0x10800] =	vst v63  }
.LBB2_25:
0x1e0: {  	_ =	sfence.sel $0x180000  }
0x1e1: {  	[bflag:$0x0] =	sbarrier.arrive $0xFFFF  }
0x1e2: {  	_ =	strace $0x90000047  }
0x1e3: {  	s0 =	stileid.u32;
	[bflag:$0x2] =	sbarrier.arrive $0xFFFF  }
0x1e4: {  	p0 =	sne.s32 s0, $0x0;
	s0 =	rddreg [dreg:$0x3]  }
0x1e5: {  	s0 =	sadd.s32 @!p0 $0x100000, s0  }
0x1e6: {  	[sflag:s0] =	ssyncadd.tile.s32 @!p0 $0x1;
	_ =	shalt  }
.Lfunc_end2:
_tile_overlayer_lowered:
.L_overlay_start_2:
0x1e7: {  	(tag) =	ssettag $0x2  }
0x1e8: {  	s0 =	rddreg [dreg:$0x0];
	s2 =	stileid.u32  }
0x1e9: {  	s1 =	rddreg [dreg:$0x1];
	p0 =	sne.s32 s2, $0x0  }
0x1ea: {  	s3 =	rddreg [dreg:$0x2];
	[bflag:$0x3] =	sbarrier.arrive $0xFFFF;
	s2 =	simm.s32 @!p0 $0x1C09  }
0x1eb: {  	[timem:s3], [sflag:s2] =	dma.local @!p0 [hbm:s0], s1  }
0x1ec: {  	s0 =	simm.s32 @!p0 $0x9  }
0x1ed: {  	_ =	swait.ge @!p0 [sflag:s0], s1  }
0x1ee: {  	s1 =	ssub.s32 @!p0 $0x0, s1;
	[sflag:s0] =	ssyncset.done @!p0 $0x0  }
0x1ef: {  	[sflag:s0] =	ssyncadd.s32 @!p0 s1  }
0x1f0: {  	[bflag:$0x3] =	sbarrier.arrive $0xFFFF  }
0x1f1: {  	_ =	shalt  }

</sc_bundles>
